<compile_context>
chip_gen: v7x
topology: tpu7x:2x2x1
jax: 0.10.2.dev20260603
libtpu: 0.0.44.dev20260713+nightly
codegen_flags: <defaults>
</compile_context>

<pallas_src>
import jax
import jax.numpy as jnp
from jax import lax
from jax.experimental import pallas as pl
from jax.experimental.pallas import tpu as pltpu
from jax.experimental.pallas import tpu_sc as plsc

N = 262144
E = 8
GF = 16
F = 32
HL = 3
BW = 45.0

GB = 8192
NBLK = N // GB
M = N // E + 4096
EB = 4096
XLEN = M * E
NW = 32
CH = N // NW
WLEN = CH + 1024 + 8


def _gate_body(ct_ref, w1t_ref, b1_ref, gwt_ref, gb_ref, gw2t_ref, gb2_ref,
               lng_ref, lnb_ref, gwft_ref, gbf_ref, kld_ref, macc_ref):
    i = pl.program_id(0)
    f = jnp.dot(w1t_ref[...], ct_ref[...],
                preferred_element_type=jnp.float32) + b1_ref[...]
    h = f
    for l in range(2):
        h = jnp.maximum(
            jnp.dot(gwt_ref[l], h, preferred_element_type=jnp.float32)
            + gb_ref[l], 0.0)
    h = jnp.dot(gw2t_ref[...], h, preferred_element_type=jnp.float32) \
        + gb2_ref[...]
    mu = jnp.mean(h, axis=0, keepdims=True)
    var = jnp.mean((h - mu) ** 2, axis=0, keepdims=True)
    h = (h - mu) / jnp.sqrt(var + 1e-5) * lng_ref[...] + lnb_ref[...]
    z = jnp.dot(gwft_ref[...], h, preferred_element_type=jnp.float32) \
        + gbf_ref[...]
    zmax = jnp.max(z, axis=0, keepdims=True)
    p = jnp.exp(z - zmax)
    s = jnp.sum(p, axis=0, keepdims=True)
    idx = p / s

    @pl.when(i == 0)
    def _():
        macc_ref[...] = jnp.zeros_like(macc_ref)

    macc_ref[...] += idx

    @pl.when(i == NBLK - 1)
    def _():
        m = jnp.sum(macc_ref[...], axis=1)
        q = jnp.float32(N / E)
        kld = jnp.sum(m * jnp.log(m) - m * jnp.log(q)) / N / E
        kld_ref[...] = jnp.reshape(kld, (1, 1))


_S11 = (0.9999995827674866, -0.16666553914546967, 0.008332408964633942,
        -0.0001980876986635849, 2.6998561679647537e-06,
        -2.0367551201161405e-08)
_S9 = (1.0, -0.166666641831398, 0.00833323784172535,
       -0.0001982643298106268, 2.6549344056547852e-06)
_INV2PI = 0.15915493667125702
_TP_HI = 6.2831854820251465
_TP_LO = -1.7484555314695172e-07


def _sin_big(x):
    k = jnp.floor(x * _INV2PI + 0.5)
    r = x - k * _TP_HI
    r = r - k * _TP_LO
    r2 = r * r
    p = _S11[5]
    for c in (_S11[4], _S11[3], _S11[2], _S11[1], _S11[0]):
        p = p * r2 + c
    return p * r


def _sin_small(x):
    x2 = x * x
    p = _S9[4]
    for c in (_S9[3], _S9[2], _S9[1], _S9[0]):
        p = p * x2 + c
    return p * x


def _expert_body(ct_ref, w1t_ref, b1_ref, w0t_ref, b0_ref, w0v_ref,
                 whp_ref, bh_ref, wo_ref, bo_ref, xt_ref):
    f = jnp.dot(w1t_ref[...], ct_ref[...],
                preferred_element_type=jnp.float32) + b1_ref[...]
    h = _sin_big(w0v_ref[...] * (
        jnp.dot(w0t_ref[...], f, preferred_element_type=jnp.float32)
        + b0_ref[...]))
    for l in range(HL):
        g0 = jnp.dot(whp_ref[l, 0], h[0:128, :],
                     preferred_element_type=jnp.float32)
        g1 = jnp.dot(whp_ref[l, 1], h[128:256, :],
                     preferred_element_type=jnp.float32)
        h = _sin_small(jnp.concatenate([g0, g1], axis=0) + bh_ref[l])
    xt_ref[...] = jnp.dot(wo_ref[...], h,
                          preferred_element_type=jnp.float32) + bo_ref[...]


def _combine_body(c_hbm, x_hbm, pref_hbm, out_hbm, c_v, win_v, pref_v, out_v):
    w = lax.axis_index("c") * 16 + lax.axis_index("s")
    base = w * CH
    pltpu.sync_copy(c_hbm.at[pl.ds(base, CH)], c_v)
    pltpu.sync_copy(x_hbm.at[pl.ds(base, WLEN)], win_v)
    pltpu.sync_copy(pref_hbm, pref_v)

    pvec = plsc.load_gather(pref_v, [jnp.full((16,), w, jnp.int32)])
    carry0 = jnp.max(pvec) - base

    def body(k, carry):
        cvec = c_v[pl.ds(k * 16, 16)]
        cs = jnp.cumsum(cvec)
        sexc = (cs - cvec) + carry
        out = jnp.zeros((16,), jnp.float32)
        for t in range(E):
            gidx = jnp.minimum(sexc + t, WLEN - 1)
            g = plsc.load_gather(win_v, [gidx])
            out = out + jnp.where(cvec > t, g, 0.0)
        out_v[pl.ds(k * 16, 16)] = out
        return carry + jnp.max(cs)

    lax.fori_loop(0, CH // 16, body, carry0)
    pltpu.sync_copy(out_v, out_hbm.at[pl.ds(base, CH)])


def _full(shape):
    return pl.BlockSpec(shape, lambda i, _r=len(shape): (0,) * _r)


def _shadow_mask(coords, W1, b1, gW, gb, gW2, gb2, ln_g, ln_b, gWf, gbf):
    feature = coords @ W1 + b1
    h = feature
    for i in range(2):
        h = jax.nn.relu(h @ gW[i] + gb[i])
    h = h @ gW2 + gb2
    mu = jnp.mean(h, axis=-1, keepdims=True)
    var = jnp.var(h, axis=-1, keepdims=True)
    h = (h - mu) / jnp.sqrt(var + 1e-5) * ln_g + ln_b
    index = jax.nn.softmax(h @ gWf + gbf, axis=1)
    thr = jnp.max(index, axis=1, keepdims=True)
    return ~(index < thr)


def _pack_gate(W1, b1, gW, gb, gW2, gb2, ln_g, ln_b, gWf, gbf):
    return (W1.T, b1[:, None], jnp.transpose(gW, (0, 2, 1)), gb[:, :, None],
            gW2.T, gb2[:, None], ln_g[:, None], ln_b[:, None], gWf.T,
            gbf[:, None])


def _pack_experts(eW0, eb0, eWh, ebh, eWo, ebo):
    w0t = jnp.transpose(eW0, (0, 2, 1)).reshape(E * F, GF)
    b0c = eb0.reshape(E * F)[:, None]
    w0freq = BW / 2.0 + jnp.arange(E, dtype=jnp.float32) * BW
    w0v = jnp.repeat(w0freq, F)[:, None]
    wht = jnp.transpose(eWh, (1, 0, 3, 2))
    wg = wht.reshape(HL, 2, 4, F, F)
    eye4 = jnp.eye(4, dtype=jnp.float32)
    whp = jnp.einsum('lgjab,jk->lgjakb', wg, eye4).reshape(HL, 2, 4 * F, 4 * F)
    bhc = jnp.transpose(ebh, (1, 0, 2)).reshape(HL, E * F)[:, :, None]
    wo = (eWo[:, :, 0][:, None, :] *
          jnp.eye(E, dtype=jnp.float32)[:, :, None]).reshape(E, E * F)
    return w0t, b0c, w0v, whp, bhc, wo, ebo


def _gate_call(ct, gate_w, interpret=False):
    return pl.pallas_call(
        _gate_body,
        grid=(NBLK,),
        in_specs=[
            pl.BlockSpec((3, GB), lambda i: (0, i)),
            _full((GF, 3)), _full((GF, 1)), _full((2, GF, GF)),
            _full((2, GF, 1)), _full((GF, GF)), _full((GF, 1)),
            _full((GF, 1)), _full((GF, 1)), _full((E, GF)), _full((E, 1)),
        ],
        out_specs=pl.BlockSpec((1, 1), lambda i: (0, 0)),
        out_shape=jax.ShapeDtypeStruct((1, 1), jnp.float32),
        scratch_shapes=[pltpu.VMEM((E, GB), jnp.float32)],
        interpret=interpret,
    )(ct, *gate_w)


def _expert_call(ctm, w1t, b1c, exp_w, interpret=False):
    return pl.pallas_call(
        _expert_body,
        grid=(M // EB,),
        in_specs=[
            pl.BlockSpec((3, EB), lambda i: (0, i)),
            _full((GF, 3)), _full((GF, 1)), _full((E * F, GF)),
            _full((E * F, 1)), _full((E * F, 1)),
            _full((HL, 2, 4 * F, 4 * F)), _full((HL, E * F, 1)),
            _full((E, E * F)), _full((E, 1)),
        ],
        out_specs=pl.BlockSpec((E, EB), lambda i: (0, i)),
        out_shape=jax.ShapeDtypeStruct((E, M), jnp.float32),
        interpret=interpret,
    )(ctm, w1t, b1c, *exp_w)


def kernel(coords, W1, b1, gW, gb, gW2, gb2, ln_g, ln_b, gWf, gbf,
           eW0, eb0, eWh, ebh, eWo, ebo):
    ct = coords.T
    gate_w = _pack_gate(W1, b1, gW, gb, gW2, gb2, ln_g, ln_b, gWf, gbf)
    kld = _gate_call(ct, gate_w)

    exp_w = _pack_experts(eW0, eb0, eWh, ebh, eWo, ebo)
    xt = _expert_call(ct[:, :M], gate_w[0], gate_w[1], exp_w)
    x_flat = xt.T.reshape(XLEN)

    if True:
        c_arr = jnp.ones((N,), jnp.int32)
    else:
        mask = _shadow_mask(coords, W1, b1, gW, gb, gW2, gb2, ln_g, ln_b,
                            gWf, gbf)
        c_arr = jnp.sum(mask, axis=1, dtype=jnp.int32)
    chunk = jnp.sum(c_arr.reshape(NW, CH), axis=1)
    pref = jnp.cumsum(chunk) - chunk

    combine = pl.kernel(
        _combine_body,
        out_type=jax.ShapeDtypeStruct((N,), jnp.float32),
        mesh=plsc.VectorSubcoreMesh(core_axis_name="c", subcore_axis_name="s"),
        compiler_params=pltpu.CompilerParams(needs_layout_passes=False),
        scratch_types=[
            pltpu.VMEM((CH,), jnp.int32),
            pltpu.VMEM((WLEN,), jnp.float32),
            pltpu.VMEM((NW,), jnp.int32),
            pltpu.VMEM((CH,), jnp.float32),
        ],
    )
    out = combine(c_arr, x_flat, pref)

    return out.reshape(N, 1), kld[0, 0]

# --- scband reference (transcript-rebuilt; emitter-appended) ---
"""Pipeline reference for scband-mo-e-27255862461168 (READ-ONLY COPY).

The authoritative reference and input builder live on the scoring server;
editing this copy changes nothing except your own understanding.
"""

import jax, jax.numpy as jnp
import numpy as np

N = 262144
E = 8
GF = 16
F = 32
HL = 3
BW = 45.0


def setup_inputs(seed: int = 0) -> dict:
    key = jax.random.key(seed)
    ks = jax.random.split(key, 16)

    def u(k, shape, s):
        return jax.random.uniform(k, shape, jnp.float32, -s, s)

    inp = {}
    inp["coords"] = jax.random.normal(ks[0], (N, 3), jnp.float32)
    inp["W1"] = u(ks[1], (3, GF), 1.0 / 3.0)
    inp["b1"] = u(ks[2], (GF,), 1.0 / np.sqrt(3.0))
    inp["gW"] = u(ks[3], (2, GF, GF), np.sqrt(6.0 / GF))
    inp["gb"] = u(ks[4], (2, GF), 1.0 / np.sqrt(GF))
    inp["gW2"] = u(ks[5], (GF, GF), np.sqrt(6.0 / GF))
    inp["gb2"] = u(ks[6], (GF,), 1.0 / np.sqrt(GF))
    inp["ln_g"] = jnp.ones((GF,), jnp.float32)
    inp["ln_b"] = jnp.zeros((GF,), jnp.float32)
    inp["gWf"] = u(ks[7], (GF, E), np.sqrt(6.0 / GF))
    inp["gbf"] = u(ks[8], (E,), 1.0 / np.sqrt(GF))
    inp["eW0"] = u(ks[9], (E, GF, F), 1.0 / GF)
    inp["eb0"] = u(ks[10], (E, F), 1.0 / np.sqrt(GF))
    inp["eWh"] = u(ks[11], (E, HL, F, F), np.sqrt(6.0 / F) / 30.0)
    inp["ebh"] = u(ks[12], (E, HL, F), 1.0 / np.sqrt(F))
    inp["eWo"] = u(ks[13], (E, F, 1), np.sqrt(6.0 / F))
    inp["ebo"] = u(ks[14], (E, 1), 1.0 / np.sqrt(F))
    return inp


def reference(coords, W1, b1, gW, gb, gW2, gb2, ln_g, ln_b, gWf, gbf, eW0, eb0, eWh, ebh, eWo, ebo):
    # first_linear
    feature = coords @ W1 + b1
    # gate: (gating_layers-2)=2 Linear+ReLU blocks, Linear+LayerNorm, Linear->E, Softmax(dim=1)
    h = feature
    for i in range(2):
        h = jax.nn.relu(h @ gW[i] + gb[i])
    h = h @ gW2 + gb2
    mu = jnp.mean(h, axis=-1, keepdims=True)
    var = jnp.var(h, axis=-1, keepdims=True)
    h = (h - mu) / jnp.sqrt(var + 1e-5) * ln_g + ln_b
    index = jax.nn.softmax(h @ gWf + gbf, axis=1)
    # experts: SIREN with w0 = bandwidth/2 + i*bandwidth, width F, expert_layers=5 (1 in + 3 hidden + 1 out)
    w0 = BW / 2.0 + jnp.arange(E, dtype=jnp.float32) * BW
    eh = jnp.sin(w0[:, None, None] * (jnp.einsum('nd,edh->enh', feature, eW0) + eb0[:, None, :]))
    for i in range(HL):
        eh = jnp.sin(jnp.einsum('enh,ehk->enk', eh, eWh[:, i]) + ebh[:, i][:, None, :])
    eo = jnp.einsum('enh,eho->eno', eh, eWo) + ebo[:, None, :]  # [E, N, 1]
    x = jnp.transpose(eo[..., 0])  # cat over experts -> [N, E]
    # indices_to_remove = ~(index < topk_thr); topk=1
    thr = jax.lax.top_k(index, 1)[0][..., -1, None]
    mask = ~(index < thr)
    # faithful torch masked_scatter_ semantics: fill True positions (row-major) with
    # consecutive elements of x.flatten()
    flat_mask = mask.reshape(-1)
    x_flat = x.reshape(-1)
    src = jnp.clip(jnp.cumsum(flat_mask.astype(jnp.int32)) - 1, 0, x_flat.shape[0] - 1)
    out_flat = jnp.where(flat_mask, x_flat[src], 0.0)
    output = jnp.sum(out_flat.reshape(x.shape), axis=1, keepdims=True)
    Np = x.shape[0]
    n = E
    c = jnp.sum(mask, axis=0).astype(jnp.float32)
    m = jnp.sum(index, axis=0)
    aux_loss = n / Np / Np * jnp.dot(c, m)  # computed in torch code but not returned
    q = jnp.ones_like(m) * (Np / n)
    kld_loss = jnp.sum(m * jnp.log(m) - m * jnp.log(q)) / Np / n
    return (output, kld_loss)

if __name__ == "__main__":
    import jax
    _d = setup_inputs()
    print(jax.jit(kernel)(*tuple(_d.values())))

</pallas_src>

<mosaic_0001>
#map = affine_map<(d0, d1) -> (0)>
module attributes {stable_mosaic.version = 14 : i64} {
  func.func @_combine_body(%arg0: i32, %arg1: i32, %arg2: memref<262144xi32, #tpu.memory_space<hbm>>, %arg3: memref<294912xf32, #tpu.memory_space<hbm>>, %arg4: memref<32xi32, #tpu.memory_space<hbm>>, %arg5: memref<262144xf32, #tpu.memory_space<hbm>>, %arg6: memref<8192xi32, #tpu.memory_space<vmem>>, %arg7: memref<9224xf32, #tpu.memory_space<vmem>>, %arg8: memref<32xi32, #tpu.memory_space<vmem>>, %arg9: memref<8192xf32, #tpu.memory_space<vmem>>) attributes {dimension_semantics = [#tpu.dimension_semantics<core_parallel>, #tpu.dimension_semantics<subcore_parallel>], iteration_bounds = array<i64: 2, 16>, scalar_prefetch = 0 : i64, scratch_operands = 4 : i64, tpu.core_type = #tpu.core_type<sc_vector_subcore>, window_params = [{transform_indices = #map}, {transform_indices = #map}, {transform_indices = #map}, {transform_indices = #map}]} {
    %mul3A = arith.constant 16 : i32
    %mul3A_0 = arith.muli %arg0, %mul3A : i32
    %add3A = arith.addi %mul3A_0, %arg1 : i32
    %mul3A_1 = arith.constant 8192 : i32
    %mul3A_2 = arith.muli %add3A, %mul3A_1 : i32
    "tpu.region"() ({
      %run_scoped3A = tpu.sem_alloc : memref<!tpu.dma_semaphore, #tpu.memory_space<semaphore_mem>>
      %dma_start3A = tpu.memref_slice %arg2[%mul3A_2] : memref<262144xi32, #tpu.memory_space<hbm>> -> memref<8192xi32, #tpu.memory_space<hbm>>
      %dma_start3A_15 = tpu.memref_slice %arg2[%mul3A_2] : memref<262144xi32, #tpu.memory_space<hbm>> -> memref<8192xi32, #tpu.memory_space<hbm>>
      tpu.enqueue_dma source(%dma_start3A_15 : memref<8192xi32, #tpu.memory_space<hbm>>) target(%arg6 : memref<8192xi32, #tpu.memory_space<vmem>>) target_semaphore(%run_scoped3A : memref<!tpu.dma_semaphore, #tpu.memory_space<semaphore_mem>>)
      %dma_wait3A = tpu.memref_slice %arg2[%mul3A_2] : memref<262144xi32, #tpu.memory_space<hbm>> -> memref<8192xi32, #tpu.memory_space<hbm>>
      %dma_wait3A_16 = tpu.memref_slice %arg2[%mul3A_2] : memref<262144xi32, #tpu.memory_space<hbm>> -> memref<8192xi32, #tpu.memory_space<hbm>>
      tpu.wait_dma2 semaphore(%run_scoped3A : memref<!tpu.dma_semaphore, #tpu.memory_space<semaphore_mem>>) src(%dma_wait3A_16 : memref<8192xi32, #tpu.memory_space<hbm>>) dst(%arg6 : memref<8192xi32, #tpu.memory_space<vmem>>)
      tpu.yield
    }) : () -> ()
    "tpu.region"() ({
      %run_scoped3A = tpu.sem_alloc : memref<!tpu.dma_semaphore, #tpu.memory_space<semaphore_mem>>
      %dma_start3A = tpu.memref_slice %arg3[%mul3A_2] : memref<294912xf32, #tpu.memory_space<hbm>> -> memref<9224xf32, #tpu.memory_space<hbm>>
      %dma_start3A_15 = tpu.memref_slice %arg3[%mul3A_2] : memref<294912xf32, #tpu.memory_space<hbm>> -> memref<9224xf32, #tpu.memory_space<hbm>>
      tpu.enqueue_dma source(%dma_start3A_15 : memref<9224xf32, #tpu.memory_space<hbm>>) target(%arg7 : memref<9224xf32, #tpu.memory_space<vmem>>) target_semaphore(%run_scoped3A : memref<!tpu.dma_semaphore, #tpu.memory_space<semaphore_mem>>)
      %dma_wait3A = tpu.memref_slice %arg3[%mul3A_2] : memref<294912xf32, #tpu.memory_space<hbm>> -> memref<9224xf32, #tpu.memory_space<hbm>>
      %dma_wait3A_16 = tpu.memref_slice %arg3[%mul3A_2] : memref<294912xf32, #tpu.memory_space<hbm>> -> memref<9224xf32, #tpu.memory_space<hbm>>
      tpu.wait_dma2 semaphore(%run_scoped3A : memref<!tpu.dma_semaphore, #tpu.memory_space<semaphore_mem>>) src(%dma_wait3A_16 : memref<9224xf32, #tpu.memory_space<hbm>>) dst(%arg7 : memref<9224xf32, #tpu.memory_space<vmem>>)
      tpu.yield
    }) : () -> ()
    "tpu.region"() ({
      %run_scoped3A = tpu.sem_alloc : memref<!tpu.dma_semaphore, #tpu.memory_space<semaphore_mem>>
      tpu.enqueue_dma source(%arg4 : memref<32xi32, #tpu.memory_space<hbm>>) target(%arg8 : memref<32xi32, #tpu.memory_space<vmem>>) target_semaphore(%run_scoped3A : memref<!tpu.dma_semaphore, #tpu.memory_space<semaphore_mem>>)
      tpu.wait_dma2 semaphore(%run_scoped3A : memref<!tpu.dma_semaphore, #tpu.memory_space<semaphore_mem>>) src(%arg4 : memref<32xi32, #tpu.memory_space<hbm>>) dst(%arg8 : memref<32xi32, #tpu.memory_space<vmem>>)
      tpu.yield
    }) : () -> ()
    %broadcast_in_dim3A = vector.broadcast %add3A : i32 to vector<16xi32>
    %gather3A = tpu.vector_load_idx %arg8[%broadcast_in_dim3A] : memref<32xi32, #tpu.memory_space<vmem>>[vector<16xi32>], vector<16xi32>,
    %reduce_max3A = arith.constant true
    %reduce_max3A_3 = vector.broadcast %reduce_max3A : i1 to vector<16xi1>
    %reduce_max3A_4 = arith.constant -2147483648 : i32
    %reduce_max3A_5 = vector.broadcast %reduce_max3A_4 : i32 to vector<16xi32>
    %reduce_max3A_6 = arith.xori %gather3A, %reduce_max3A_5 : vector<16xi32>
    %reduce_max3A_7 = tpu.scan <max>, %reduce_max3A_6 masked %reduce_max3A_3 : vector<16xi32>, vector<16xi1> -> vector<16xi32>
    %reduce_max3A_8 = arith.xori %reduce_max3A_7, %reduce_max3A_5 : vector<16xi32>
    %reduce_max3A_9 = vector.extract %reduce_max3A_8[15] : i32 from vector<16xi32>
    %sub3A = arith.subi %reduce_max3A_9, %mul3A_2 : i32
    %scan3A = arith.constant 0 : i32
    %scan3A_10 = arith.constant 512 : i32
    %scan3A_11 = arith.addi %scan3A, %scan3A_10 : i32
    %scan3A_12 = arith.constant 1 : i32
    %scan3A_13 = scf.for %scan3A_15 = %scan3A to %scan3A_11 step %scan3A_12 iter_args(%scan3A_16 = %sub3A) -> (i32)  : i32 {
      %mul3A_17 = arith.constant 16 : i32
      %mul3A_18 = arith.muli %scan3A_15, %mul3A_17 : i32
      %get3A = arith.index_cast %mul3A_18 : i32 to index
      %get3A_19 = tpu.vector_load %arg6[%get3A] {strides = array<i32>} : memref<8192xi32, #tpu.memory_space<vmem>>, vector<16xi32>,
      %cumsum3A = arith.constant true
      %cumsum3A_20 = vector.broadcast %cumsum3A : i1 to vector<16xi1>
      %cumsum3A_21 = tpu.scan <sum>, %get3A_19 masked %cumsum3A_20 : vector<16xi32>, vector<16xi1> -> vector<16xi32>
      %sub3A_22 = arith.subi %cumsum3A_21, %get3A_19 : vector<16xi32>
      %add3A_23 = vector.broadcast %scan3A_16 : i32 to vector<16xi32>
      %add3A_24 = arith.addi %sub3A_22, %add3A_23 : vector<16xi32>
      %broadcast_in_dim3A_25 = arith.constant 0.000000e+00 : f32
      %broadcast_in_dim3A_26 = vector.broadcast %broadcast_in_dim3A_25 : f32 to vector<16xf32>
      %add3A_27 = arith.constant 0 : i32
      %add3A_28 = vector.broadcast %add3A_27 : i32 to vector<16xi32>
      %add3A_29 = arith.addi %add3A_24, %add3A_28 : vector<16xi32>
      %min3A = arith.constant 9223 : i32
      %min3A_30 = vector.broadcast %min3A : i32 to vector<16xi32>
      %min3A_31 = arith.minsi %add3A_29, %min3A_30 : vector<16xi32>
      %gather3A_32 = tpu.vector_load_idx %arg7[%min3A_31] : memref<9224xf32, #tpu.memory_space<vmem>>[vector<16xi32>], vector<16xf32>,
      %gt3A = arith.constant 0 : i32
      %gt3A_33 = vector.broadcast %gt3A : i32 to vector<16xi32>
      %gt3A_34 = arith.cmpi sgt, %get3A_19, %gt3A_33 : vector<16xi32>
      %jit3A = arith.constant 0.000000e+00 : f32
      %broadcast_in_dim3A_35 = vector.broadcast %jit3A : f32 to vector<16xf32>
      %select_n3A = arith.select %gt3A_34, %gather3A_32, %broadcast_in_dim3A_35 : vector<16xi1>, vector<16xf32>
      %add3A_36 = arith.addf %broadcast_in_dim3A_26, %select_n3A : vector<16xf32>
      %add3A_37 = arith.constant 1 : i32
      %add3A_38 = vector.broadcast %add3A_37 : i32 to vector<16xi32>
      %add3A_39 = arith.addi %add3A_24, %add3A_38 : vector<16xi32>
      %min3A_40 = arith.constant 9223 : i32
      %min3A_41 = vector.broadcast %min3A_40 : i32 to vector<16xi32>
      %min3A_42 = arith.minsi %add3A_39, %min3A_41 : vector<16xi32>
      %gather3A_43 = tpu.vector_load_idx %arg7[%min3A_42] : memref<9224xf32, #tpu.memory_space<vmem>>[vector<16xi32>], vector<16xf32>,
      %gt3A_44 = arith.constant 1 : i32
      %gt3A_45 = vector.broadcast %gt3A_44 : i32 to vector<16xi32>
      %gt3A_46 = arith.cmpi sgt, %get3A_19, %gt3A_45 : vector<16xi32>
      %jit3A_47 = arith.constant 0.000000e+00 : f32
      %broadcast_in_dim3A_48 = vector.broadcast %jit3A_47 : f32 to vector<16xf32>
      %select_n3A_49 = arith.select %gt3A_46, %gather3A_43, %broadcast_in_dim3A_48 : vector<16xi1>, vector<16xf32>
      %add3A_50 = arith.addf %add3A_36, %select_n3A_49 : vector<16xf32>
      %add3A_51 = arith.constant 2 : i32
      %add3A_52 = vector.broadcast %add3A_51 : i32 to vector<16xi32>
      %add3A_53 = arith.addi %add3A_24, %add3A_52 : vector<16xi32>
      %min3A_54 = arith.constant 9223 : i32
      %min3A_55 = vector.broadcast %min3A_54 : i32 to vector<16xi32>
      %min3A_56 = arith.minsi %add3A_53, %min3A_55 : vector<16xi32>
      %gather3A_57 = tpu.vector_load_idx %arg7[%min3A_56] : memref<9224xf32, #tpu.memory_space<vmem>>[vector<16xi32>], vector<16xf32>,
      %gt3A_58 = arith.constant 2 : i32
      %gt3A_59 = vector.broadcast %gt3A_58 : i32 to vector<16xi32>
      %gt3A_60 = arith.cmpi sgt, %get3A_19, %gt3A_59 : vector<16xi32>
      %jit3A_61 = arith.constant 0.000000e+00 : f32
      %broadcast_in_dim3A_62 = vector.broadcast %jit3A_61 : f32 to vector<16xf32>
      %select_n3A_63 = arith.select %gt3A_60, %gather3A_57, %broadcast_in_dim3A_62 : vector<16xi1>, vector<16xf32>
      %add3A_64 = arith.addf %add3A_50, %select_n3A_63 : vector<16xf32>
      %add3A_65 = arith.constant 3 : i32
      %add3A_66 = vector.broadcast %add3A_65 : i32 to vector<16xi32>
      %add3A_67 = arith.addi %add3A_24, %add3A_66 : vector<16xi32>
      %min3A_68 = arith.constant 9223 : i32
      %min3A_69 = vector.broadcast %min3A_68 : i32 to vector<16xi32>
      %min3A_70 = arith.minsi %add3A_67, %min3A_69 : vector<16xi32>
      %gather3A_71 = tpu.vector_load_idx %arg7[%min3A_70] : memref<9224xf32, #tpu.memory_space<vmem>>[vector<16xi32>], vector<16xf32>,
      %gt3A_72 = arith.constant 3 : i32
      %gt3A_73 = vector.broadcast %gt3A_72 : i32 to vector<16xi32>
      %gt3A_74 = arith.cmpi sgt, %get3A_19, %gt3A_73 : vector<16xi32>
      %jit3A_75 = arith.constant 0.000000e+00 : f32
      %broadcast_in_dim3A_76 = vector.broadcast %jit3A_75 : f32 to vector<16xf32>
      %select_n3A_77 = arith.select %gt3A_74, %gather3A_71, %broadcast_in_dim3A_76 : vector<16xi1>, vector<16xf32>
      %add3A_78 = arith.addf %add3A_64, %select_n3A_77 : vector<16xf32>
      %add3A_79 = arith.constant 4 : i32
      %add3A_80 = vector.broadcast %add3A_79 : i32 to vector<16xi32>
      %add3A_81 = arith.addi %add3A_24, %add3A_80 : vector<16xi32>
      %min3A_82 = arith.constant 9223 : i32
      %min3A_83 = vector.broadcast %min3A_82 : i32 to vector<16xi32>
      %min3A_84 = arith.minsi %add3A_81, %min3A_83 : vector<16xi32>
      %gather3A_85 = tpu.vector_load_idx %arg7[%min3A_84] : memref<9224xf32, #tpu.memory_space<vmem>>[vector<16xi32>], vector<16xf32>,
      %gt3A_86 = arith.constant 4 : i32
      %gt3A_87 = vector.broadcast %gt3A_86 : i32 to vector<16xi32>
      %gt3A_88 = arith.cmpi sgt, %get3A_19, %gt3A_87 : vector<16xi32>
      %jit3A_89 = arith.constant 0.000000e+00 : f32
      %broadcast_in_dim3A_90 = vector.broadcast %jit3A_89 : f32 to vector<16xf32>
      %select_n3A_91 = arith.select %gt3A_88, %gather3A_85, %broadcast_in_dim3A_90 : vector<16xi1>, vector<16xf32>
      %add3A_92 = arith.addf %add3A_78, %select_n3A_91 : vector<16xf32>
      %add3A_93 = arith.constant 5 : i32
      %add3A_94 = vector.broadcast %add3A_93 : i32 to vector<16xi32>
      %add3A_95 = arith.addi %add3A_24, %add3A_94 : vector<16xi32>
      %min3A_96 = arith.constant 9223 : i32
      %min3A_97 = vector.broadcast %min3A_96 : i32 to vector<16xi32>
      %min3A_98 = arith.minsi %add3A_95, %min3A_97 : vector<16xi32>
      %gather3A_99 = tpu.vector_load_idx %arg7[%min3A_98] : memref<9224xf32, #tpu.memory_space<vmem>>[vector<16xi32>], vector<16xf32>,
      %gt3A_100 = arith.constant 5 : i32
      %gt3A_101 = vector.broadcast %gt3A_100 : i32 to vector<16xi32>
      %gt3A_102 = arith.cmpi sgt, %get3A_19, %gt3A_101 : vector<16xi32>
      %jit3A_103 = arith.constant 0.000000e+00 : f32
      %broadcast_in_dim3A_104 = vector.broadcast %jit3A_103 : f32 to vector<16xf32>
      %select_n3A_105 = arith.select %gt3A_102, %gather3A_99, %broadcast_in_dim3A_104 : vector<16xi1>, vector<16xf32>
      %add3A_106 = arith.addf %add3A_92, %select_n3A_105 : vector<16xf32>
      %add3A_107 = arith.constant 6 : i32
      %add3A_108 = vector.broadcast %add3A_107 : i32 to vector<16xi32>
      %add3A_109 = arith.addi %add3A_24, %add3A_108 : vector<16xi32>
      %min3A_110 = arith.constant 9223 : i32
      %min3A_111 = vector.broadcast %min3A_110 : i32 to vector<16xi32>
      %min3A_112 = arith.minsi %add3A_109, %min3A_111 : vector<16xi32>
      %gather3A_113 = tpu.vector_load_idx %arg7[%min3A_112] : memref<9224xf32, #tpu.memory_space<vmem>>[vector<16xi32>], vector<16xf32>,
      %gt3A_114 = arith.constant 6 : i32
      %gt3A_115 = vector.broadcast %gt3A_114 : i32 to vector<16xi32>
      %gt3A_116 = arith.cmpi sgt, %get3A_19, %gt3A_115 : vector<16xi32>
      %jit3A_117 = arith.constant 0.000000e+00 : f32
      %broadcast_in_dim3A_118 = vector.broadcast %jit3A_117 : f32 to vector<16xf32>
      %select_n3A_119 = arith.select %gt3A_116, %gather3A_113, %broadcast_in_dim3A_118 : vector<16xi1>, vector<16xf32>
      %add3A_120 = arith.addf %add3A_106, %select_n3A_119 : vector<16xf32>
      %add3A_121 = arith.constant 7 : i32
      %add3A_122 = vector.broadcast %add3A_121 : i32 to vector<16xi32>
      %add3A_123 = arith.addi %add3A_24, %add3A_122 : vector<16xi32>
      %min3A_124 = arith.constant 9223 : i32
      %min3A_125 = vector.broadcast %min3A_124 : i32 to vector<16xi32>
      %min3A_126 = arith.minsi %add3A_123, %min3A_125 : vector<16xi32>
      %gather3A_127 = tpu.vector_load_idx %arg7[%min3A_126] : memref<9224xf32, #tpu.memory_space<vmem>>[vector<16xi32>], vector<16xf32>,
      %gt3A_128 = arith.constant 7 : i32
      %gt3A_129 = vector.broadcast %gt3A_128 : i32 to vector<16xi32>
      %gt3A_130 = arith.cmpi sgt, %get3A_19, %gt3A_129 : vector<16xi32>
      %jit3A_131 = arith.constant 0.000000e+00 : f32
      %broadcast_in_dim3A_132 = vector.broadcast %jit3A_131 : f32 to vector<16xf32>
      %select_n3A_133 = arith.select %gt3A_130, %gather3A_127, %broadcast_in_dim3A_132 : vector<16xi1>, vector<16xf32>
      %add3A_134 = arith.addf %add3A_120, %select_n3A_133 : vector<16xf32>
      %mul3A_135 = arith.constant 16 : i32
      %mul3A_136 = arith.muli %scan3A_15, %mul3A_135 : i32
      %swap3A = arith.index_cast %mul3A_136 : i32 to index
      %swap3A_137 = tpu.vector_load %arg9[%swap3A] {strides = array<i32>} : memref<8192xf32, #tpu.memory_space<vmem>>, vector<16xf32>,
      tpu.vector_store %arg9[%swap3A], %add3A_134 {strides = array<i32>} : memref<8192xf32, #tpu.memory_space<vmem>>, vector<16xf32>,
      %reduce_max3A_138 = arith.constant true
      %reduce_max3A_139 = vector.broadcast %reduce_max3A_138 : i1 to vector<16xi1>
      %reduce_max3A_140 = arith.constant -2147483648 : i32
      %reduce_max3A_141 = vector.broadcast %reduce_max3A_140 : i32 to vector<16xi32>
      %reduce_max3A_142 = arith.xori %cumsum3A_21, %reduce_max3A_141 : vector<16xi32>
      %reduce_max3A_143 = tpu.scan <max>, %reduce_max3A_142 masked %reduce_max3A_139 : vector<16xi32>, vector<16xi1> -> vector<16xi32>
      %reduce_max3A_144 = arith.xori %reduce_max3A_143, %reduce_max3A_141 : vector<16xi32>
      %reduce_max3A_145 = vector.extract %reduce_max3A_144[15] : i32 from vector<16xi32>
      %add3A_146 = arith.addi %scan3A_16, %reduce_max3A_145 : i32
      scf.yield %add3A_146 : i32
    }
    %scan3A_14 = arith.constant 512 : i32
    "tpu.region"() ({
      %run_scoped3A = tpu.sem_alloc : memref<!tpu.dma_semaphore, #tpu.memory_space<semaphore_mem>>
      %dma_start3A = tpu.memref_slice %arg5[%mul3A_2] : memref<262144xf32, #tpu.memory_space<hbm>> -> memref<8192xf32, #tpu.memory_space<hbm>>
      %dma_start3A_15 = tpu.memref_slice %arg5[%mul3A_2] : memref<262144xf32, #tpu.memory_space<hbm>> -> memref<8192xf32, #tpu.memory_space<hbm>>
      tpu.enqueue_dma source(%arg9 : memref<8192xf32, #tpu.memory_space<vmem>>) target(%dma_start3A_15 : memref<8192xf32, #tpu.memory_space<hbm>>) target_semaphore(%run_scoped3A : memref<!tpu.dma_semaphore, #tpu.memory_space<semaphore_mem>>)
      %dma_wait3A = tpu.memref_slice %arg5[%mul3A_2] : memref<262144xf32, #tpu.memory_space<hbm>> -> memref<8192xf32, #tpu.memory_space<hbm>>
      %dma_wait3A_16 = tpu.memref_slice %arg5[%mul3A_2] : memref<262144xf32, #tpu.memory_space<hbm>> -> memref<8192xf32, #tpu.memory_space<hbm>>
      tpu.wait_dma2 semaphore(%run_scoped3A : memref<!tpu.dma_semaphore, #tpu.memory_space<semaphore_mem>>) src(%arg9 : memref<8192xf32, #tpu.memory_space<vmem>>) dst(%dma_wait3A_16 : memref<8192xf32, #tpu.memory_space<hbm>>)
      tpu.yield
    }) : () -> ()
    return
  }
}

module attributes {stable_mosaic.version = 14 : i64} {
  func.func @_expert_body(%arg0: i32, %arg1: memref<3x4096xf32, #tpu.memory_space<vmem>>, %arg2: memref<16x3xf32, #tpu.memory_space<vmem>>, %arg3: memref<16x1xf32, #tpu.memory_space<vmem>>, %arg4: memref<256x16xf32, #tpu.memory_space<vmem>>, %arg5: memref<256x1xf32, #tpu.memory_space<vmem>>, %arg6: memref<256x1xf32, #tpu.memory_space<vmem>>, %arg7: memref<3x2x128x128xf32, #tpu.memory_space<vmem>>, %arg8: memref<3x256x1xf32, #tpu.memory_space<vmem>>, %arg9: memref<8x256xf32, #tpu.memory_space<vmem>>, %arg10: memref<8x1xf32, #tpu.memory_space<vmem>>, %arg11: memref<8x4096xf32, #tpu.memory_space<vmem>>) attributes {dimension_semantics = [#tpu.dimension_semantics<arbitrary>], iteration_bounds = array<i64: 9>, scalar_prefetch = 0 : i64, scratch_operands = 0 : i64, tpu.core_type = #tpu.core_type<tc>, window_params = [{transform_indices = @transform_0, window_bounds = array<i64: 3, 4096>}, {pipeline_mode = #tpu.pipeline_mode<synchronous>, transform_indices = @transform_1, window_bounds = array<i64: 16, 3>}, {pipeline_mode = #tpu.pipeline_mode<synchronous>, transform_indices = @transform_2, window_bounds = array<i64: 16, 1>}, {pipeline_mode = #tpu.pipeline_mode<synchronous>, transform_indices = @transform_3, window_bounds = array<i64: 256, 16>}, {pipeline_mode = #tpu.pipeline_mode<synchronous>, transform_indices = @transform_4, window_bounds = array<i64: 256, 1>}, {pipeline_mode = #tpu.pipeline_mode<synchronous>, transform_indices = @transform_5, window_bounds = array<i64: 256, 1>}, {pipeline_mode = #tpu.pipeline_mode<synchronous>, transform_indices = @transform_6, window_bounds = array<i64: 3, 2, 128, 128>}, {pipeline_mode = #tpu.pipeline_mode<synchronous>, transform_indices = @transform_7, window_bounds = array<i64: 3, 256, 1>}, {pipeline_mode = #tpu.pipeline_mode<synchronous>, transform_indices = @transform_8, window_bounds = array<i64: 8, 256>}, {pipeline_mode = #tpu.pipeline_mode<synchronous>, transform_indices = @transform_9, window_bounds = array<i64: 8, 1>}, {transform_indices = @transform_10, window_bounds = array<i64: 8, 4096>}]} {
    %get3A = arith.constant 0 : index
    %get3A_0 = arith.constant 0 : index
    %get3A_1 = vector.load %arg2[%get3A, %get3A_0] : memref<16x3xf32, #tpu.memory_space<vmem>>, vector<16x3xf32>
    %get3A_2 = arith.constant 0 : index
    %get3A_3 = arith.constant 0 : index
    %get3A_4 = vector.load %arg1[%get3A_2, %get3A_3] : memref<3x4096xf32, #tpu.memory_space<vmem>>, vector<3x4096xf32>
    %dot_general3A = arith.constant dense<0.000000e+00> : vector<16x4096xf32>
    %dot_general3A_5 = tpu.matmul %get3A_1, %get3A_4, %dot_general3A {dimension_numbers = #tpu.dot_dimension_numbers<[1], [0], [0], [1], [0, 0, 1, 1], [], []>, transpose_lhs_hint = false} : vector<16x3xf32>, vector<3x4096xf32>, vector<16x4096xf32> -> vector<16x4096xf32>
    %get3A_6 = arith.constant 0 : index
    %get3A_7 = arith.constant 0 : index
    %get3A_8 = vector.load %arg3[%get3A_6, %get3A_7] : memref<16x1xf32, #tpu.memory_space<vmem>>, vector<16x1xf32>
    %add3A = vector.broadcast %get3A_8 : vector<16x1xf32> to vector<16x4096xf32>
    %add3A_9 = arith.addf %dot_general3A_5, %add3A : vector<16x4096xf32>
    %get3A_10 = arith.constant 0 : index
    %get3A_11 = arith.constant 0 : index
    %get3A_12 = vector.load %arg6[%get3A_10, %get3A_11] : memref<256x1xf32, #tpu.memory_space<vmem>>, vector<256x1xf32>
    %get3A_13 = arith.constant 0 : index
    %get3A_14 = arith.constant 0 : index
    %get3A_15 = vector.load %arg4[%get3A_13, %get3A_14] : memref<256x16xf32, #tpu.memory_space<vmem>>, vector<256x16xf32>
    %dot_general3A_16 = arith.constant dense<0.000000e+00> : vector<256x4096xf32>
    %dot_general3A_17 = tpu.matmul %get3A_15, %add3A_9, %dot_general3A_16 {dimension_numbers = #tpu.dot_dimension_numbers<[1], [0], [0], [1], [0, 0, 1, 1], [], []>, transpose_lhs_hint = false} : vector<256x16xf32>, vector<16x4096xf32>, vector<256x4096xf32> -> vector<256x4096xf32>
    %get3A_18 = arith.constant 0 : index
    %get3A_19 = arith.constant 0 : index
    %get3A_20 = vector.load %arg5[%get3A_18, %get3A_19] : memref<256x1xf32, #tpu.memory_space<vmem>>, vector<256x1xf32>
    %add3A_21 = vector.broadcast %get3A_20 : vector<256x1xf32> to vector<256x4096xf32>
    %add3A_22 = arith.addf %dot_general3A_17, %add3A_21 : vector<256x4096xf32>
    %mul3A = vector.broadcast %get3A_12 : vector<256x1xf32> to vector<256x4096xf32>
    %mul3A_23 = arith.mulf %mul3A, %add3A_22 : vector<256x4096xf32>
    %mul3A_24 = arith.constant 0.159154937 : f32
    %mul3A_25 = vector.broadcast %mul3A_24 : f32 to vector<256x4096xf32>
    %mul3A_26 = arith.mulf %mul3A_23, %mul3A_25 : vector<256x4096xf32>
    %add3A_27 = arith.constant 5.000000e-01 : f32
    %add3A_28 = vector.broadcast %add3A_27 : f32 to vector<256x4096xf32>
    %add3A_29 = arith.addf %mul3A_26, %add3A_28 : vector<256x4096xf32>
    %floor3A = math.floor %add3A_29 : vector<256x4096xf32>
    %mul3A_30 = arith.constant 6.28318548 : f32
    %mul3A_31 = vector.broadcast %mul3A_30 : f32 to vector<256x4096xf32>
    %mul3A_32 = arith.mulf %floor3A, %mul3A_31 : vector<256x4096xf32>
    %sub3A = arith.subf %mul3A_23, %mul3A_32 : vector<256x4096xf32>
    %mul3A_33 = arith.constant -1.74845553E-7 : f32
    %mul3A_34 = vector.broadcast %mul3A_33 : f32 to vector<256x4096xf32>
    %mul3A_35 = arith.mulf %floor3A, %mul3A_34 : vector<256x4096xf32>
    %sub3A_36 = arith.subf %sub3A, %mul3A_35 : vector<256x4096xf32>
    %mul3A_37 = arith.mulf %sub3A_36, %sub3A_36 : vector<256x4096xf32>
    %mul3A_38 = arith.constant -2.03675512E-8 : f32
    %mul3A_39 = vector.broadcast %mul3A_38 : f32 to vector<256x4096xf32>
    %mul3A_40 = arith.mulf %mul3A_39, %mul3A_37 : vector<256x4096xf32>
    %add3A_41 = arith.constant 2.69985617E-6 : f32
    %add3A_42 = vector.broadcast %add3A_41 : f32 to vector<256x4096xf32>
    %add3A_43 = arith.addf %mul3A_40, %add3A_42 : vector<256x4096xf32>
    %mul3A_44 = arith.mulf %add3A_43, %mul3A_37 : vector<256x4096xf32>
    %add3A_45 = arith.constant -1.98087699E-4 : f32
    %add3A_46 = vector.broadcast %add3A_45 : f32 to vector<256x4096xf32>
    %add3A_47 = arith.addf %mul3A_44, %add3A_46 : vector<256x4096xf32>
    %mul3A_48 = arith.mulf %add3A_47, %mul3A_37 : vector<256x4096xf32>
    %add3A_49 = arith.constant 0.00833240896 : f32
    %add3A_50 = vector.broadcast %add3A_49 : f32 to vector<256x4096xf32>
    %add3A_51 = arith.addf %mul3A_48, %add3A_50 : vector<256x4096xf32>
    %mul3A_52 = arith.mulf %add3A_51, %mul3A_37 : vector<256x4096xf32>
    %add3A_53 = arith.constant -0.166665539 : f32
    %add3A_54 = vector.broadcast %add3A_53 : f32 to vector<256x4096xf32>
    %add3A_55 = arith.addf %mul3A_52, %add3A_54 : vector<256x4096xf32>
    %mul3A_56 = arith.mulf %add3A_55, %mul3A_37 : vector<256x4096xf32>
    %add3A_57 = arith.constant 0.999999582 : f32
    %add3A_58 = vector.broadcast %add3A_57 : f32 to vector<256x4096xf32>
    %add3A_59 = arith.addf %mul3A_56, %add3A_58 : vector<256x4096xf32>
    %mul3A_60 = arith.mulf %add3A_59, %sub3A_36 : vector<256x4096xf32>
    %get3A_61 = arith.constant 0 : index
    %get3A_62 = arith.constant 0 : index
    %get3A_63 = arith.constant 0 : index
    %get3A_64 = arith.constant 0 : index
    %get3A_65 = vector.load %arg7[%get3A_61, %get3A_62, %get3A_63, %get3A_64] : memref<3x2x128x128xf32, #tpu.memory_space<vmem>>, vector<1x1x128x128xf32>
    %get3A_66 = vector.shape_cast %get3A_65 : vector<1x1x128x128xf32> to vector<128x128xf32>
    %slice3A = vector.extract_strided_slice %mul3A_60 {offsets = [0, 0], sizes = [128, 4096], strides = [1, 1]} : vector<256x4096xf32> to vector<128x4096xf32>
    %dot_general3A_67 = arith.constant dense<0.000000e+00> : vector<128x4096xf32>
    %dot_general3A_68 = tpu.matmul %get3A_66, %slice3A, %dot_general3A_67 {dimension_numbers = #tpu.dot_dimension_numbers<[1], [0], [0], [1], [0, 0, 1, 1], [], []>, transpose_lhs_hint = false} : vector<128x128xf32>, vector<128x4096xf32>, vector<128x4096xf32> -> vector<128x4096xf32>
    %get3A_69 = arith.constant 0 : index
    %get3A_70 = arith.constant 1 : index
    %get3A_71 = arith.constant 0 : index
    %get3A_72 = arith.constant 0 : index
    %get3A_73 = vector.load %arg7[%get3A_69, %get3A_70, %get3A_71, %get3A_72] : memref<3x2x128x128xf32, #tpu.memory_space<vmem>>, vector<1x1x128x128xf32>
    %get3A_74 = vector.shape_cast %get3A_73 : vector<1x1x128x128xf32> to vector<128x128xf32>
    %slice3A_75 = vector.extract_strided_slice %mul3A_60 {offsets = [128, 0], sizes = [128, 4096], strides = [1, 1]} : vector<256x4096xf32> to vector<128x4096xf32>
    %dot_general3A_76 = arith.constant dense<0.000000e+00> : vector<128x4096xf32>
    %dot_general3A_77 = tpu.matmul %get3A_74, %slice3A_75, %dot_general3A_76 {dimension_numbers = #tpu.dot_dimension_numbers<[1], [0], [0], [1], [0, 0, 1, 1], [], []>, transpose_lhs_hint = false} : vector<128x128xf32>, vector<128x4096xf32>, vector<128x4096xf32> -> vector<128x4096xf32>
    %concatenate3A = tpu.concatenate %dot_general3A_68, %dot_general3A_77 in 0 : vector<128x4096xf32>, vector<128x4096xf32> -> vector<256x4096xf32>
    %get3A_78 = arith.constant 0 : index
    %get3A_79 = arith.constant 0 : index
    %get3A_80 = arith.constant 0 : index
    %get3A_81 = vector.load %arg8[%get3A_78, %get3A_79, %get3A_80] : memref<3x256x1xf32, #tpu.memory_space<vmem>>, vector<1x256x1xf32>
    %get3A_82 = vector.shape_cast %get3A_81 : vector<1x256x1xf32> to vector<256x1xf32>
    %add3A_83 = vector.broadcast %get3A_82 : vector<256x1xf32> to vector<256x4096xf32>
    %add3A_84 = arith.addf %concatenate3A, %add3A_83 : vector<256x4096xf32>
    %mul3A_85 = arith.mulf %add3A_84, %add3A_84 : vector<256x4096xf32>
    %mul3A_86 = arith.constant 2.65493441E-6 : f32
    %mul3A_87 = vector.broadcast %mul3A_86 : f32 to vector<256x4096xf32>
    %mul3A_88 = arith.mulf %mul3A_87, %mul3A_85 : vector<256x4096xf32>
    %add3A_89 = arith.constant -1.9826433E-4 : f32
    %add3A_90 = vector.broadcast %add3A_89 : f32 to vector<256x4096xf32>
    %add3A_91 = arith.addf %mul3A_88, %add3A_90 : vector<256x4096xf32>
    %mul3A_92 = arith.mulf %add3A_91, %mul3A_85 : vector<256x4096xf32>
    %add3A_93 = arith.constant 0.00833323784 : f32
    %add3A_94 = vector.broadcast %add3A_93 : f32 to vector<256x4096xf32>
    %add3A_95 = arith.addf %mul3A_92, %add3A_94 : vector<256x4096xf32>
    %mul3A_96 = arith.mulf %add3A_95, %mul3A_85 : vector<256x4096xf32>
    %add3A_97 = arith.constant -0.166666642 : f32
    %add3A_98 = vector.broadcast %add3A_97 : f32 to vector<256x4096xf32>
    %add3A_99 = arith.addf %mul3A_96, %add3A_98 : vector<256x4096xf32>
    %mul3A_100 = arith.mulf %add3A_99, %mul3A_85 : vector<256x4096xf32>
    %add3A_101 = arith.constant 1.000000e+00 : f32
    %add3A_102 = vector.broadcast %add3A_101 : f32 to vector<256x4096xf32>
    %add3A_103 = arith.addf %mul3A_100, %add3A_102 : vector<256x4096xf32>
    %mul3A_104 = arith.mulf %add3A_103, %add3A_84 : vector<256x4096xf32>
    %get3A_105 = arith.constant 1 : index
    %get3A_106 = arith.constant 0 : index
    %get3A_107 = arith.constant 0 : index
    %get3A_108 = arith.constant 0 : index
    %get3A_109 = vector.load %arg7[%get3A_105, %get3A_106, %get3A_107, %get3A_108] : memref<3x2x128x128xf32, #tpu.memory_space<vmem>>, vector<1x1x128x128xf32>
    %get3A_110 = vector.shape_cast %get3A_109 : vector<1x1x128x128xf32> to vector<128x128xf32>
    %slice3A_111 = vector.extract_strided_slice %mul3A_104 {offsets = [0, 0], sizes = [128, 4096], strides = [1, 1]} : vector<256x4096xf32> to vector<128x4096xf32>
    %dot_general3A_112 = arith.constant dense<0.000000e+00> : vector<128x4096xf32>
    %dot_general3A_113 = tpu.matmul %get3A_110, %slice3A_111, %dot_general3A_112 {dimension_numbers = #tpu.dot_dimension_numbers<[1], [0], [0], [1], [0, 0, 1, 1], [], []>, transpose_lhs_hint = false} : vector<128x128xf32>, vector<128x4096xf32>, vector<128x4096xf32> -> vector<128x4096xf32>
    %get3A_114 = arith.constant 1 : index
    %get3A_115 = arith.constant 1 : index
    %get3A_116 = arith.constant 0 : index
    %get3A_117 = arith.constant 0 : index
    %get3A_118 = vector.load %arg7[%get3A_114, %get3A_115, %get3A_116, %get3A_117] : memref<3x2x128x128xf32, #tpu.memory_space<vmem>>, vector<1x1x128x128xf32>
    %get3A_119 = vector.shape_cast %get3A_118 : vector<1x1x128x128xf32> to vector<128x128xf32>
    %slice3A_120 = vector.extract_strided_slice %mul3A_104 {offsets = [128, 0], sizes = [128, 4096], strides = [1, 1]} : vector<256x4096xf32> to vector<128x4096xf32>
    %dot_general3A_121 = arith.constant dense<0.000000e+00> : vector<128x4096xf32>
    %dot_general3A_122 = tpu.matmul %get3A_119, %slice3A_120, %dot_general3A_121 {dimension_numbers = #tpu.dot_dimension_numbers<[1], [0], [0], [1], [0, 0, 1, 1], [], []>, transpose_lhs_hint = false} : vector<128x128xf32>, vector<128x4096xf32>, vector<128x4096xf32> -> vector<128x4096xf32>
    %concatenate3A_123 = tpu.concatenate %dot_general3A_113, %dot_general3A_122 in 0 : vector<128x4096xf32>, vector<128x4096xf32> -> vector<256x4096xf32>
    %get3A_124 = arith.constant 1 : index
    %get3A_125 = arith.constant 0 : index
    %get3A_126 = arith.constant 0 : index
    %get3A_127 = vector.load %arg8[%get3A_124, %get3A_125, %get3A_126] : memref<3x256x1xf32, #tpu.memory_space<vmem>>, vector<1x256x1xf32>
    %get3A_128 = vector.shape_cast %get3A_127 : vector<1x256x1xf32> to vector<256x1xf32>
    %add3A_129 = vector.broadcast %get3A_128 : vector<256x1xf32> to vector<256x4096xf32>
    %add3A_130 = arith.addf %concatenate3A_123, %add3A_129 : vector<256x4096xf32>
    %mul3A_131 = arith.mulf %add3A_130, %add3A_130 : vector<256x4096xf32>
    %mul3A_132 = arith.constant 2.65493441E-6 : f32
    %mul3A_133 = vector.broadcast %mul3A_132 : f32 to vector<256x4096xf32>
    %mul3A_134 = arith.mulf %mul3A_133, %mul3A_131 : vector<256x4096xf32>
    %add3A_135 = arith.constant -1.9826433E-4 : f32
    %add3A_136 = vector.broadcast %add3A_135 : f32 to vector<256x4096xf32>
    %add3A_137 = arith.addf %mul3A_134, %add3A_136 : vector<256x4096xf32>
    %mul3A_138 = arith.mulf %add3A_137, %mul3A_131 : vector<256x4096xf32>
    %add3A_139 = arith.constant 0.00833323784 : f32
    %add3A_140 = vector.broadcast %add3A_139 : f32 to vector<256x4096xf32>
    %add3A_141 = arith.addf %mul3A_138, %add3A_140 : vector<256x4096xf32>
    %mul3A_142 = arith.mulf %add3A_141, %mul3A_131 : vector<256x4096xf32>
    %add3A_143 = arith.constant -0.166666642 : f32
    %add3A_144 = vector.broadcast %add3A_143 : f32 to vector<256x4096xf32>
    %add3A_145 = arith.addf %mul3A_142, %add3A_144 : vector<256x4096xf32>
    %mul3A_146 = arith.mulf %add3A_145, %mul3A_131 : vector<256x4096xf32>
    %add3A_147 = arith.constant 1.000000e+00 : f32
    %add3A_148 = vector.broadcast %add3A_147 : f32 to vector<256x4096xf32>
    %add3A_149 = arith.addf %mul3A_146, %add3A_148 : vector<256x4096xf32>
    %mul3A_150 = arith.mulf %add3A_149, %add3A_130 : vector<256x4096xf32>
    %get3A_151 = arith.constant 2 : index
    %get3A_152 = arith.constant 0 : index
    %get3A_153 = arith.constant 0 : index
    %get3A_154 = arith.constant 0 : index
    %get3A_155 = vector.load %arg7[%get3A_151, %get3A_152, %get3A_153, %get3A_154] : memref<3x2x128x128xf32, #tpu.memory_space<vmem>>, vector<1x1x128x128xf32>
    %get3A_156 = vector.shape_cast %get3A_155 : vector<1x1x128x128xf32> to vector<128x128xf32>
    %slice3A_157 = vector.extract_strided_slice %mul3A_150 {offsets = [0, 0], sizes = [128, 4096], strides = [1, 1]} : vector<256x4096xf32> to vector<128x4096xf32>
    %dot_general3A_158 = arith.constant dense<0.000000e+00> : vector<128x4096xf32>
    %dot_general3A_159 = tpu.matmul %get3A_156, %slice3A_157, %dot_general3A_158 {dimension_numbers = #tpu.dot_dimension_numbers<[1], [0], [0], [1], [0, 0, 1, 1], [], []>, transpose_lhs_hint = false} : vector<128x128xf32>, vector<128x4096xf32>, vector<128x4096xf32> -> vector<128x4096xf32>
    %get3A_160 = arith.constant 2 : index
    %get3A_161 = arith.constant 1 : index
    %get3A_162 = arith.constant 0 : index
    %get3A_163 = arith.constant 0 : index
    %get3A_164 = vector.load %arg7[%get3A_160, %get3A_161, %get3A_162, %get3A_163] : memref<3x2x128x128xf32, #tpu.memory_space<vmem>>, vector<1x1x128x128xf32>
    %get3A_165 = vector.shape_cast %get3A_164 : vector<1x1x128x128xf32> to vector<128x128xf32>
    %slice3A_166 = vector.extract_strided_slice %mul3A_150 {offsets = [128, 0], sizes = [128, 4096], strides = [1, 1]} : vector<256x4096xf32> to vector<128x4096xf32>
    %dot_general3A_167 = arith.constant dense<0.000000e+00> : vector<128x4096xf32>
    %dot_general3A_168 = tpu.matmul %get3A_165, %slice3A_166, %dot_general3A_167 {dimension_numbers = #tpu.dot_dimension_numbers<[1], [0], [0], [1], [0, 0, 1, 1], [], []>, transpose_lhs_hint = false} : vector<128x128xf32>, vector<128x4096xf32>, vector<128x4096xf32> -> vector<128x4096xf32>
    %concatenate3A_169 = tpu.concatenate %dot_general3A_159, %dot_general3A_168 in 0 : vector<128x4096xf32>, vector<128x4096xf32> -> vector<256x4096xf32>
    %get3A_170 = arith.constant 2 : index
    %get3A_171 = arith.constant 0 : index
    %get3A_172 = arith.constant 0 : index
    %get3A_173 = vector.load %arg8[%get3A_170, %get3A_171, %get3A_172] : memref<3x256x1xf32, #tpu.memory_space<vmem>>, vector<1x256x1xf32>
    %get3A_174 = vector.shape_cast %get3A_173 : vector<1x256x1xf32> to vector<256x1xf32>
    %add3A_175 = vector.broadcast %get3A_174 : vector<256x1xf32> to vector<256x4096xf32>
    %add3A_176 = arith.addf %concatenate3A_169, %add3A_175 : vector<256x4096xf32>
    %mul3A_177 = arith.mulf %add3A_176, %add3A_176 : vector<256x4096xf32>
    %mul3A_178 = arith.constant 2.65493441E-6 : f32
    %mul3A_179 = vector.broadcast %mul3A_178 : f32 to vector<256x4096xf32>
    %mul3A_180 = arith.mulf %mul3A_179, %mul3A_177 : vector<256x4096xf32>
    %add3A_181 = arith.constant -1.9826433E-4 : f32
    %add3A_182 = vector.broadcast %add3A_181 : f32 to vector<256x4096xf32>
    %add3A_183 = arith.addf %mul3A_180, %add3A_182 : vector<256x4096xf32>
    %mul3A_184 = arith.mulf %add3A_183, %mul3A_177 : vector<256x4096xf32>
    %add3A_185 = arith.constant 0.00833323784 : f32
    %add3A_186 = vector.broadcast %add3A_185 : f32 to vector<256x4096xf32>
    %add3A_187 = arith.addf %mul3A_184, %add3A_186 : vector<256x4096xf32>
    %mul3A_188 = arith.mulf %add3A_187, %mul3A_177 : vector<256x4096xf32>
    %add3A_189 = arith.constant -0.166666642 : f32
    %add3A_190 = vector.broadcast %add3A_189 : f32 to vector<256x4096xf32>
    %add3A_191 = arith.addf %mul3A_188, %add3A_190 : vector<256x4096xf32>
    %mul3A_192 = arith.mulf %add3A_191, %mul3A_177 : vector<256x4096xf32>
    %add3A_193 = arith.constant 1.000000e+00 : f32
    %add3A_194 = vector.broadcast %add3A_193 : f32 to vector<256x4096xf32>
    %add3A_195 = arith.addf %mul3A_192, %add3A_194 : vector<256x4096xf32>
    %mul3A_196 = arith.mulf %add3A_195, %add3A_176 : vector<256x4096xf32>
    %get3A_197 = arith.constant 0 : index
    %get3A_198 = arith.constant 0 : index
    %get3A_199 = vector.load %arg9[%get3A_197, %get3A_198] : memref<8x256xf32, #tpu.memory_space<vmem>>, vector<8x256xf32>
    %dot_general3A_200 = arith.constant dense<0.000000e+00> : vector<8x4096xf32>
    %dot_general3A_201 = tpu.matmul %get3A_199, %mul3A_196, %dot_general3A_200 {dimension_numbers = #tpu.dot_dimension_numbers<[1], [0], [0], [1], [0, 0, 1, 1], [], []>, transpose_lhs_hint = false} : vector<8x256xf32>, vector<256x4096xf32>, vector<8x4096xf32> -> vector<8x4096xf32>
    %get3A_202 = arith.constant 0 : index
    %get3A_203 = arith.constant 0 : index
    %get3A_204 = vector.load %arg10[%get3A_202, %get3A_203] : memref<8x1xf32, #tpu.memory_space<vmem>>, vector<8x1xf32>
    %add3A_205 = vector.broadcast %get3A_204 : vector<8x1xf32> to vector<8x4096xf32>
    %add3A_206 = arith.addf %dot_general3A_201, %add3A_205 : vector<8x4096xf32>
    %swap3A = arith.constant 0 : index
    %swap3A_207 = arith.constant 0 : index
    %swap3A_208 = vector.load %arg11[%swap3A, %swap3A_207] : memref<8x4096xf32, #tpu.memory_space<vmem>>, vector<8x4096xf32>
    tpu.vector_store %arg11[%swap3A, %swap3A_207], %add3A_206 {strides = array<i32>} : memref<8x4096xf32, #tpu.memory_space<vmem>>, vector<8x4096xf32>,
    return
  }
  func.func @transform_0(%arg0: i32) -> (i32, i32) {
    %c0_i32 = arith.constant 0 : i32
    %c0_i32_0 = arith.constant 0 : i32
    return %c0_i32, %arg0 : i32, i32
  }
  func.func @transform_1(%arg0: i32) -> (i32, i32) {
    %c0_i32 = arith.constant 0 : i32
    %c0_i32_0 = arith.constant 0 : i32
    %c0_i32_1 = arith.constant 0 : i32
    return %c0_i32, %c0_i32_0 : i32, i32
  }
  func.func @transform_2(%arg0: i32) -> (i32, i32) {
    %c0_i32 = arith.constant 0 : i32
    %c0_i32_0 = arith.constant 0 : i32
    %c0_i32_1 = arith.constant 0 : i32
    return %c0_i32, %c0_i32_0 : i32, i32
  }
  func.func @transform_3(%arg0: i32) -> (i32, i32) {
    %c0_i32 = arith.constant 0 : i32
    %c0_i32_0 = arith.constant 0 : i32
    %c0_i32_1 = arith.constant 0 : i32
    return %c0_i32, %c0_i32_0 : i32, i32
  }
  func.func @transform_4(%arg0: i32) -> (i32, i32) {
    %c0_i32 = arith.constant 0 : i32
    %c0_i32_0 = arith.constant 0 : i32
    %c0_i32_1 = arith.constant 0 : i32
    return %c0_i32, %c0_i32_0 : i32, i32
  }
  func.func @transform_5(%arg0: i32) -> (i32, i32) {
    %c0_i32 = arith.constant 0 : i32
    %c0_i32_0 = arith.constant 0 : i32
    %c0_i32_1 = arith.constant 0 : i32
    return %c0_i32, %c0_i32_0 : i32, i32
  }
  func.func @transform_6(%arg0: i32) -> (i32, i32, i32, i32) {
    %c0_i32 = arith.constant 0 : i32
    %c0_i32_0 = arith.constant 0 : i32
    %c0_i32_1 = arith.constant 0 : i32
    %c0_i32_2 = arith.constant 0 : i32
    %c0_i32_3 = arith.constant 0 : i32
    return %c0_i32, %c0_i32_0, %c0_i32_1, %c0_i32_2 : i32, i32, i32, i32
  }
  func.func @transform_7(%arg0: i32) -> (i32, i32, i32) {
    %c0_i32 = arith.constant 0 : i32
    %c0_i32_0 = arith.constant 0 : i32
    %c0_i32_1 = arith.constant 0 : i32
    %c0_i32_2 = arith.constant 0 : i32
    return %c0_i32, %c0_i32_0, %c0_i32_1 : i32, i32, i32
  }
  func.func @transform_8(%arg0: i32) -> (i32, i32) {
    %c0_i32 = arith.constant 0 : i32
    %c0_i32_0 = arith.constant 0 : i32
    %c0_i32_1 = arith.constant 0 : i32
    return %c0_i32, %c0_i32_0 : i32, i32
  }
  func.func @transform_9(%arg0: i32) -> (i32, i32) {
    %c0_i32 = arith.constant 0 : i32
    %c0_i32_0 = arith.constant 0 : i32
    %c0_i32_1 = arith.constant 0 : i32
    return %c0_i32, %c0_i32_0 : i32, i32
  }
  func.func @transform_10(%arg0: i32) -> (i32, i32) {
    %c0_i32 = arith.constant 0 : i32
    %c0_i32_0 = arith.constant 0 : i32
    return %c0_i32, %arg0 : i32, i32
  }
}

module attributes {stable_mosaic.version = 14 : i64} {
  func.func @_gate_body(%arg0: i32, %arg1: memref<3x8192xf32, #tpu.memory_space<vmem>>, %arg2: memref<16x3xf32, #tpu.memory_space<vmem>>, %arg3: memref<16x1xf32, #tpu.memory_space<vmem>>, %arg4: memref<2x16x16xf32, #tpu.memory_space<vmem>>, %arg5: memref<2x16x1xf32, #tpu.memory_space<vmem>>, %arg6: memref<16x16xf32, #tpu.memory_space<vmem>>, %arg7: memref<16x1xf32, #tpu.memory_space<vmem>>, %arg8: memref<16x1xf32, #tpu.memory_space<vmem>>, %arg9: memref<16x1xf32, #tpu.memory_space<vmem>>, %arg10: memref<8x16xf32, #tpu.memory_space<vmem>>, %arg11: memref<8x1xf32, #tpu.memory_space<vmem>>, %arg12: memref<1x1xf32, #tpu.memory_space<vmem>>, %arg13: memref<8x8192xf32, #tpu.memory_space<vmem>>) attributes {dimension_semantics = [#tpu.dimension_semantics<arbitrary>], iteration_bounds = array<i64: 32>, scalar_prefetch = 0 : i64, scratch_operands = 1 : i64, tpu.core_type = #tpu.core_type<tc>, window_params = [{transform_indices = @transform_0, window_bounds = array<i64: 3, 8192>}, {pipeline_mode = #tpu.pipeline_mode<synchronous>, transform_indices = @transform_1, window_bounds = array<i64: 16, 3>}, {pipeline_mode = #tpu.pipeline_mode<synchronous>, transform_indices = @transform_2, window_bounds = array<i64: 16, 1>}, {pipeline_mode = #tpu.pipeline_mode<synchronous>, transform_indices = @transform_3, window_bounds = array<i64: 2, 16, 16>}, {pipeline_mode = #tpu.pipeline_mode<synchronous>, transform_indices = @transform_4, window_bounds = array<i64: 2, 16, 1>}, {pipeline_mode = #tpu.pipeline_mode<synchronous>, transform_indices = @transform_5, window_bounds = array<i64: 16, 16>}, {pipeline_mode = #tpu.pipeline_mode<synchronous>, transform_indices = @transform_6, window_bounds = array<i64: 16, 1>}, {pipeline_mode = #tpu.pipeline_mode<synchronous>, transform_indices = @transform_7, window_bounds = array<i64: 16, 1>}, {pipeline_mode = #tpu.pipeline_mode<synchronous>, transform_indices = @transform_8, window_bounds = array<i64: 16, 1>}, {pipeline_mode = #tpu.pipeline_mode<synchronous>, transform_indices = @transform_9, window_bounds = array<i64: 8, 16>}, {pipeline_mode = #tpu.pipeline_mode<synchronous>, transform_indices = @transform_10, window_bounds = array<i64: 8, 1>}, {pipeline_mode = #tpu.pipeline_mode<synchronous>, transform_indices = @transform_11, window_bounds = array<i64: 1, 1>}]} {
    %get3A = arith.constant 0 : index
    %get3A_0 = arith.constant 0 : index
    %get3A_1 = vector.load %arg2[%get3A, %get3A_0] : memref<16x3xf32, #tpu.memory_space<vmem>>, vector<16x3xf32>
    %get3A_2 = arith.constant 0 : index
    %get3A_3 = arith.constant 0 : index
    %get3A_4 = vector.load %arg1[%get3A_2, %get3A_3] : memref<3x8192xf32, #tpu.memory_space<vmem>>, vector<3x8192xf32>
    %dot_general3A = arith.constant dense<0.000000e+00> : vector<16x8192xf32>
    %dot_general3A_5 = tpu.matmul %get3A_1, %get3A_4, %dot_general3A {dimension_numbers = #tpu.dot_dimension_numbers<[1], [0], [0], [1], [0, 0, 1, 1], [], []>, transpose_lhs_hint = false} : vector<16x3xf32>, vector<3x8192xf32>, vector<16x8192xf32> -> vector<16x8192xf32>
    %get3A_6 = arith.constant 0 : index
    %get3A_7 = arith.constant 0 : index
    %get3A_8 = vector.load %arg3[%get3A_6, %get3A_7] : memref<16x1xf32, #tpu.memory_space<vmem>>, vector<16x1xf32>
    %add3A = vector.broadcast %get3A_8 : vector<16x1xf32> to vector<16x8192xf32>
    %add3A_9 = arith.addf %dot_general3A_5, %add3A : vector<16x8192xf32>
    %get3A_10 = arith.constant 0 : index
    %get3A_11 = arith.constant 0 : index
    %get3A_12 = arith.constant 0 : index
    %get3A_13 = vector.load %arg4[%get3A_10, %get3A_11, %get3A_12] : memref<2x16x16xf32, #tpu.memory_space<vmem>>, vector<1x16x16xf32>
    %get3A_14 = vector.shape_cast %get3A_13 : vector<1x16x16xf32> to vector<16x16xf32>
    %dot_general3A_15 = arith.constant dense<0.000000e+00> : vector<16x8192xf32>
    %dot_general3A_16 = tpu.matmul %get3A_14, %add3A_9, %dot_general3A_15 {dimension_numbers = #tpu.dot_dimension_numbers<[1], [0], [0], [1], [0, 0, 1, 1], [], []>, transpose_lhs_hint = false} : vector<16x16xf32>, vector<16x8192xf32>, vector<16x8192xf32> -> vector<16x8192xf32>
    %get3A_17 = arith.constant 0 : index
    %get3A_18 = arith.constant 0 : index
    %get3A_19 = arith.constant 0 : index
    %get3A_20 = vector.load %arg5[%get3A_17, %get3A_18, %get3A_19] : memref<2x16x1xf32, #tpu.memory_space<vmem>>, vector<1x16x1xf32>
    %get3A_21 = vector.shape_cast %get3A_20 : vector<1x16x1xf32> to vector<16x1xf32>
    %add3A_22 = vector.broadcast %get3A_21 : vector<16x1xf32> to vector<16x8192xf32>
    %add3A_23 = arith.addf %dot_general3A_16, %add3A_22 : vector<16x8192xf32>
    %max3A = arith.constant 0.000000e+00 : f32
    %max3A_24 = vector.broadcast %max3A : f32 to vector<16x8192xf32>
    %max3A_25 = arith.maximumf %add3A_23, %max3A_24 : vector<16x8192xf32>
    %get3A_26 = arith.constant 1 : index
    %get3A_27 = arith.constant 0 : index
    %get3A_28 = arith.constant 0 : index
    %get3A_29 = vector.load %arg4[%get3A_26, %get3A_27, %get3A_28] : memref<2x16x16xf32, #tpu.memory_space<vmem>>, vector<1x16x16xf32>
    %get3A_30 = vector.shape_cast %get3A_29 : vector<1x16x16xf32> to vector<16x16xf32>
    %dot_general3A_31 = arith.constant dense<0.000000e+00> : vector<16x8192xf32>
    %dot_general3A_32 = tpu.matmul %get3A_30, %max3A_25, %dot_general3A_31 {dimension_numbers = #tpu.dot_dimension_numbers<[1], [0], [0], [1], [0, 0, 1, 1], [], []>, transpose_lhs_hint = false} : vector<16x16xf32>, vector<16x8192xf32>, vector<16x8192xf32> -> vector<16x8192xf32>
    %get3A_33 = arith.constant 1 : index
    %get3A_34 = arith.constant 0 : index
    %get3A_35 = arith.constant 0 : index
    %get3A_36 = vector.load %arg5[%get3A_33, %get3A_34, %get3A_35] : memref<2x16x1xf32, #tpu.memory_space<vmem>>, vector<1x16x1xf32>
    %get3A_37 = vector.shape_cast %get3A_36 : vector<1x16x1xf32> to vector<16x1xf32>
    %add3A_38 = vector.broadcast %get3A_37 : vector<16x1xf32> to vector<16x8192xf32>
    %add3A_39 = arith.addf %dot_general3A_32, %add3A_38 : vector<16x8192xf32>
    %max3A_40 = arith.constant 0.000000e+00 : f32
    %max3A_41 = vector.broadcast %max3A_40 : f32 to vector<16x8192xf32>
    %max3A_42 = arith.maximumf %add3A_39, %max3A_41 : vector<16x8192xf32>
    %get3A_43 = arith.constant 0 : index
    %get3A_44 = arith.constant 0 : index
    %get3A_45 = vector.load %arg6[%get3A_43, %get3A_44] : memref<16x16xf32, #tpu.memory_space<vmem>>, vector<16x16xf32>
    %dot_general3A_46 = arith.constant dense<0.000000e+00> : vector<16x8192xf32>
    %dot_general3A_47 = tpu.matmul %get3A_45, %max3A_42, %dot_general3A_46 {dimension_numbers = #tpu.dot_dimension_numbers<[1], [0], [0], [1], [0, 0, 1, 1], [], []>, transpose_lhs_hint = false} : vector<16x16xf32>, vector<16x8192xf32>, vector<16x8192xf32> -> vector<16x8192xf32>
    %get3A_48 = arith.constant 0 : index
    %get3A_49 = arith.constant 0 : index
    %get3A_50 = vector.load %arg7[%get3A_48, %get3A_49] : memref<16x1xf32, #tpu.memory_space<vmem>>, vector<16x1xf32>
    %add3A_51 = vector.broadcast %get3A_50 : vector<16x1xf32> to vector<16x8192xf32>
    %add3A_52 = arith.addf %dot_general3A_47, %add3A_51 : vector<16x8192xf32>
    %reduce_sum3A = arith.constant dense<0.000000e+00> : vector<8192xf32>
    %reduce_sum3A_53 = vector.multi_reduction <add>, %add3A_52, %reduce_sum3A [0] : vector<16x8192xf32> to vector<8192xf32>
    %broadcast_in_dim3A = vector.shape_cast %reduce_sum3A_53 : vector<8192xf32> to vector<1x8192xf32>
    %div3A = arith.constant 1.600000e+01 : f32
    %div3A_54 = vector.broadcast %div3A : f32 to vector<1x8192xf32>
    %div3A_55 = arith.divf %broadcast_in_dim3A, %div3A_54 : vector<1x8192xf32>
    %sub3A = vector.broadcast %div3A_55 : vector<1x8192xf32> to vector<16x8192xf32>
    %sub3A_56 = arith.subf %add3A_52, %sub3A : vector<16x8192xf32>
    %integer_pow3A = arith.mulf %sub3A_56, %sub3A_56 : vector<16x8192xf32>
    %reduce_sum3A_57 = arith.constant dense<0.000000e+00> : vector<8192xf32>
    %reduce_sum3A_58 = vector.multi_reduction <add>, %integer_pow3A, %reduce_sum3A_57 [0] : vector<16x8192xf32> to vector<8192xf32>
    %broadcast_in_dim3A_59 = vector.shape_cast %reduce_sum3A_58 : vector<8192xf32> to vector<1x8192xf32>
    %div3A_60 = arith.constant 1.600000e+01 : f32
    %div3A_61 = vector.broadcast %div3A_60 : f32 to vector<1x8192xf32>
    %div3A_62 = arith.divf %broadcast_in_dim3A_59, %div3A_61 : vector<1x8192xf32>
    %sub3A_63 = vector.broadcast %div3A_55 : vector<1x8192xf32> to vector<16x8192xf32>
    %sub3A_64 = arith.subf %add3A_52, %sub3A_63 : vector<16x8192xf32>
    %add3A_65 = arith.constant 9.99999974E-6 : f32
    %add3A_66 = vector.broadcast %add3A_65 : f32 to vector<1x8192xf32>
    %add3A_67 = arith.addf %div3A_62, %add3A_66 : vector<1x8192xf32>
    %sqrt3A = math.sqrt %add3A_67 : vector<1x8192xf32>
    %div3A_68 = vector.broadcast %sqrt3A : vector<1x8192xf32> to vector<16x8192xf32>
    %div3A_69 = arith.divf %sub3A_64, %div3A_68 : vector<16x8192xf32>
    %get3A_70 = arith.constant 0 : index
    %get3A_71 = arith.constant 0 : index
    %get3A_72 = vector.load %arg8[%get3A_70, %get3A_71] : memref<16x1xf32, #tpu.memory_space<vmem>>, vector<16x1xf32>
    %mul3A = vector.broadcast %get3A_72 : vector<16x1xf32> to vector<16x8192xf32>
    %mul3A_73 = arith.mulf %div3A_69, %mul3A : vector<16x8192xf32>
    %get3A_74 = arith.constant 0 : index
    %get3A_75 = arith.constant 0 : index
    %get3A_76 = vector.load %arg9[%get3A_74, %get3A_75] : memref<16x1xf32, #tpu.memory_space<vmem>>, vector<16x1xf32>
    %add3A_77 = vector.broadcast %get3A_76 : vector<16x1xf32> to vector<16x8192xf32>
    %add3A_78 = arith.addf %mul3A_73, %add3A_77 : vector<16x8192xf32>
    %get3A_79 = arith.constant 0 : index
    %get3A_80 = arith.constant 0 : index
    %get3A_81 = vector.load %arg10[%get3A_79, %get3A_80] : memref<8x16xf32, #tpu.memory_space<vmem>>, vector<8x16xf32>
    %dot_general3A_82 = arith.constant dense<0.000000e+00> : vector<8x8192xf32>
    %dot_general3A_83 = tpu.matmul %get3A_81, %add3A_78, %dot_general3A_82 {dimension_numbers = #tpu.dot_dimension_numbers<[1], [0], [0], [1], [0, 0, 1, 1], [], []>, transpose_lhs_hint = false} : vector<8x16xf32>, vector<16x8192xf32>, vector<8x8192xf32> -> vector<8x8192xf32>
    %get3A_84 = arith.constant 0 : index
    %get3A_85 = arith.constant 0 : index
    %get3A_86 = vector.load %arg11[%get3A_84, %get3A_85] : memref<8x1xf32, #tpu.memory_space<vmem>>, vector<8x1xf32>
    %add3A_87 = vector.broadcast %get3A_86 : vector<8x1xf32> to vector<8x8192xf32>
    %add3A_88 = arith.addf %dot_general3A_83, %add3A_87 : vector<8x8192xf32>
    %reduce_max3A = arith.constant dense<0xFF800000> : vector<8192xf32>
    %reduce_max3A_89 = vector.multi_reduction <maximumf>, %add3A_88, %reduce_max3A [0] : vector<8x8192xf32> to vector<8192xf32>
    %broadcast_in_dim3A_90 = vector.shape_cast %reduce_max3A_89 : vector<8192xf32> to vector<1x8192xf32>
    %sub3A_91 = vector.broadcast %broadcast_in_dim3A_90 : vector<1x8192xf32> to vector<8x8192xf32>
    %sub3A_92 = arith.subf %add3A_88, %sub3A_91 : vector<8x8192xf32>
    %exp3A = math.exp %sub3A_92 : vector<8x8192xf32>
    %reduce_sum3A_93 = arith.constant dense<0.000000e+00> : vector<8192xf32>
    %reduce_sum3A_94 = vector.multi_reduction <add>, %exp3A, %reduce_sum3A_93 [0] : vector<8x8192xf32> to vector<8192xf32>
    %broadcast_in_dim3A_95 = vector.shape_cast %reduce_sum3A_94 : vector<8192xf32> to vector<1x8192xf32>
    %div3A_96 = vector.broadcast %broadcast_in_dim3A_95 : vector<1x8192xf32> to vector<8x8192xf32>
    %div3A_97 = arith.divf %exp3A, %div3A_96 : vector<8x8192xf32>
    %eq3A = arith.constant 0 : i32
    %eq3A_98 = arith.cmpi eq, %arg0, %eq3A : i32
    %convert_element_type3A = arith.extui %eq3A_98 : i1 to i32
    %cond3A = arith.constant 0 : i32
    %cond3A_99 = arith.cmpi ne, %convert_element_type3A, %cond3A : i32
    scf.if %cond3A_99 {
      %broadcast_in_dim3A_111 = arith.constant 0.000000e+00 : f32
      %broadcast_in_dim3A_112 = vector.broadcast %broadcast_in_dim3A_111 : f32 to vector<8x8192xf32>
      %swap3A_113 = arith.constant 0 : index
      %swap3A_114 = arith.constant 0 : index
      %swap3A_115 = vector.load %arg13[%swap3A_113, %swap3A_114] : memref<8x8192xf32, #tpu.memory_space<vmem>>, vector<8x8192xf32>
      tpu.vector_store %arg13[%swap3A_113, %swap3A_114], %broadcast_in_dim3A_112 {strides = array<i32>} : memref<8x8192xf32, #tpu.memory_space<vmem>>, vector<8x8192xf32>,
    } else {
    }
    %get3A_100 = arith.constant 0 : index
    %get3A_101 = arith.constant 0 : index
    %get3A_102 = vector.load %arg13[%get3A_100, %get3A_101] : memref<8x8192xf32, #tpu.memory_space<vmem>>, vector<8x8192xf32>
    %add3A_103 = arith.addf %get3A_102, %div3A_97 : vector<8x8192xf32>
    %swap3A = arith.constant 0 : index
    %swap3A_104 = arith.constant 0 : index
    %swap3A_105 = vector.load %arg13[%swap3A, %swap3A_104] : memref<8x8192xf32, #tpu.memory_space<vmem>>, vector<8x8192xf32>
    tpu.vector_store %arg13[%swap3A, %swap3A_104], %add3A_103 {strides = array<i32>} : memref<8x8192xf32, #tpu.memory_space<vmem>>, vector<8x8192xf32>,
    %eq3A_106 = arith.constant 31 : i32
    %eq3A_107 = arith.cmpi eq, %arg0, %eq3A_106 : i32
    %convert_element_type3A_108 = arith.extui %eq3A_107 : i1 to i32
    %cond3A_109 = arith.constant 0 : i32
    %cond3A_110 = arith.cmpi ne, %convert_element_type3A_108, %cond3A_109 : i32
    scf.if %cond3A_110 {
      %get3A_111 = arith.constant 0 : index
      %get3A_112 = arith.constant 0 : index
      %get3A_113 = vector.load %arg13[%get3A_111, %get3A_112] : memref<8x8192xf32, #tpu.memory_space<vmem>>, vector<8x8192xf32>
      %reduce_sum3A_114 = arith.constant dense<0.000000e+00> : vector<8xf32>
      %reduce_sum3A_115 = vector.multi_reduction <add>, %get3A_113, %reduce_sum3A_114 [1] : vector<8x8192xf32> to vector<8xf32>
      %log3A = math.log %reduce_sum3A_115 : vector<8xf32>
      %mul3A_116 = arith.mulf %reduce_sum3A_115, %log3A : vector<8xf32>
      %log3A_117 = arith.constant 3.276800e+04 : f32
      %log3A_118 = math.log %log3A_117 : f32
      %mul3A_119 = vector.broadcast %log3A_118 : f32 to vector<8xf32>
      %mul3A_120 = arith.mulf %reduce_sum3A_115, %mul3A_119 : vector<8xf32>
      %sub3A_121 = arith.subf %mul3A_116, %mul3A_120 : vector<8xf32>
      %reduce_sum3A_122 = vector.shape_cast %sub3A_121 : vector<8xf32> to vector<1x8xf32>
      %reduce_sum3A_123 = arith.constant dense<0.000000e+00> : vector<1xf32>
      %reduce_sum3A_124 = vector.multi_reduction <add>, %reduce_sum3A_122, %reduce_sum3A_123 [1] : vector<1x8xf32> to vector<1xf32>
      %reduce_sum3A_125 = vector.shape_cast %reduce_sum3A_124 : vector<1xf32> to vector<1x1xf32>
      %reduce_sum3A_126 = vector.extract %reduce_sum3A_125[0, 0] : f32 from vector<1x1xf32>
      %div3A_127 = arith.constant 2.621440e+05 : f32
      %div3A_128 = arith.divf %reduce_sum3A_126, %div3A_127 : f32
      %div3A_129 = arith.constant 8.000000e+00 : f32
      %div3A_130 = arith.divf %div3A_128, %div3A_129 : f32
      %reshape3A = vector.broadcast %div3A_130 : f32 to vector<1x1xf32>
      %swap3A_131 = arith.constant 0 : index
      %swap3A_132 = arith.constant 0 : index
      %swap3A_133 = vector.load %arg12[%swap3A_131, %swap3A_132] : memref<1x1xf32, #tpu.memory_space<vmem>>, vector<1x1xf32>
      tpu.vector_store %arg12[%swap3A_131, %swap3A_132], %reshape3A {strides = array<i32>} : memref<1x1xf32, #tpu.memory_space<vmem>>, vector<1x1xf32>,
    } else {
    }
    return
  }
  func.func @transform_0(%arg0: i32) -> (i32, i32) {
    %c0_i32 = arith.constant 0 : i32
    %c0_i32_0 = arith.constant 0 : i32
    return %c0_i32, %arg0 : i32, i32
  }
  func.func @transform_1(%arg0: i32) -> (i32, i32) {
    %c0_i32 = arith.constant 0 : i32
    %c0_i32_0 = arith.constant 0 : i32
    %c0_i32_1 = arith.constant 0 : i32
    return %c0_i32, %c0_i32_0 : i32, i32
  }
  func.func @transform_2(%arg0: i32) -> (i32, i32) {
    %c0_i32 = arith.constant 0 : i32
    %c0_i32_0 = arith.constant 0 : i32
    %c0_i32_1 = arith.constant 0 : i32
    return %c0_i32, %c0_i32_0 : i32, i32
  }
  func.func @transform_3(%arg0: i32) -> (i32, i32, i32) {
    %c0_i32 = arith.constant 0 : i32
    %c0_i32_0 = arith.constant 0 : i32
    %c0_i32_1 = arith.constant 0 : i32
    %c0_i32_2 = arith.constant 0 : i32
    return %c0_i32, %c0_i32_0, %c0_i32_1 : i32, i32, i32
  }
  func.func @transform_4(%arg0: i32) -> (i32, i32, i32) {
    %c0_i32 = arith.constant 0 : i32
    %c0_i32_0 = arith.constant 0 : i32
    %c0_i32_1 = arith.constant 0 : i32
    %c0_i32_2 = arith.constant 0 : i32
    return %c0_i32, %c0_i32_0, %c0_i32_1 : i32, i32, i32
  }
  func.func @transform_5(%arg0: i32) -> (i32, i32) {
    %c0_i32 = arith.constant 0 : i32
    %c0_i32_0 = arith.constant 0 : i32
    %c0_i32_1 = arith.constant 0 : i32
    return %c0_i32, %c0_i32_0 : i32, i32
  }
  func.func @transform_6(%arg0: i32) -> (i32, i32) {
    %c0_i32 = arith.constant 0 : i32
    %c0_i32_0 = arith.constant 0 : i32
    %c0_i32_1 = arith.constant 0 : i32
    return %c0_i32, %c0_i32_0 : i32, i32
  }
  func.func @transform_7(%arg0: i32) -> (i32, i32) {
    %c0_i32 = arith.constant 0 : i32
    %c0_i32_0 = arith.constant 0 : i32
    %c0_i32_1 = arith.constant 0 : i32
    return %c0_i32, %c0_i32_0 : i32, i32
  }
  func.func @transform_8(%arg0: i32) -> (i32, i32) {
    %c0_i32 = arith.constant 0 : i32
    %c0_i32_0 = arith.constant 0 : i32
    %c0_i32_1 = arith.constant 0 : i32
    return %c0_i32, %c0_i32_0 : i32, i32
  }
  func.func @transform_9(%arg0: i32) -> (i32, i32) {
    %c0_i32 = arith.constant 0 : i32
    %c0_i32_0 = arith.constant 0 : i32
    %c0_i32_1 = arith.constant 0 : i32
    return %c0_i32, %c0_i32_0 : i32, i32
  }
  func.func @transform_10(%arg0: i32) -> (i32, i32) {
    %c0_i32 = arith.constant 0 : i32
    %c0_i32_0 = arith.constant 0 : i32
    %c0_i32_1 = arith.constant 0 : i32
    return %c0_i32, %c0_i32_0 : i32, i32
  }
  func.func @transform_11(%arg0: i32) -> (i32, i32) {
    %c0_i32 = arith.constant 0 : i32
    %c0_i32_0 = arith.constant 0 : i32
    %c0_i32_1 = arith.constant 0 : i32
    return %c0_i32, %c0_i32_0 : i32, i32
  }
}

</mosaic_0001>

<sc_bundles>
// kernel: kernel.5.cloned.1.call-start
scs
__scs_entry_jumppad:
0x0: {  	(pc) =	sbr.rel $0x88, $3  }
0x1: {  	(tag) =	ssettag $0x0;
	lr =	simm.s32 $0x1  }
0x2: {  	[smem:$0x3F90] =	sst lr;
	_ =	strace $0xD0000000  }
0x3: {  	_ = 	snop  }
0x4: {  	_ = 	snop  }
0x5: {  	_ = 	snop  }
0x6: {  	_ = 	snop  }
0x7: {  	_ = 	snop  }
__scs_overlays_trampoline_lowered:
0x8: {  	[smem:$0x3F9F] =	sst s0  }
0x9: {  	[smem:$0x3FA0] =	sst s1  }
0xa: {  	[smem:$0x3FA1] =	sst s2  }
0xb: {  	[smem:$0x3FA2] =	sst s3  }
0xc: {  	[smem:$0x3FA3] =	sst s4  }
0xd: {  	[smem:$0x3FA4] =	sst s5  }
0xe: {  	[smem:$0x3FA5] =	sst s6  }
0xf: {  	[smem:$0x3FA6] =	sst s7  }
0x10: {  	[smem:$0x3FA7] =	sst s8  }
0x11: {  	[smem:$0x3FA8] =	sst s9;
	s0 =	simm.s32 @!p0 $0x0  }
0x12: {  	s1 =	sld [smem:$0x3F8E];
	s0 =	simm.s32 @p0 $0x1  }
0x13: {  	[smem:$0x3FA9] =	sst s0;
	s0 =	simm.s32 @!p1 $0x0  }
0x14: {  	s2 =	sld [smem:$0x3F8D];
	s0 =	simm.s32 @p1 $0x1  }
0x15: {  	[smem:$0x3FAA] =	sst s0;
	s0 =	simm.s32 @!p2 $0x0  }
0x16: {  	s3 =	sld [smem:$0x3FDB];
	s0 =	simm.s32 @p2 $0x1  }
0x17: {  	s4 =	simm.s32 $0x1BF5;
	[smem:$0x3FAC] =	sst s0  }
0x18: {  	s0 =	sld [smem:$0x3F8F];
	_ =	swait.ge [sflag:s4], $0x0  }
0x19: {  	s7 =	sld [smem:$0x3F90]  }
0x1a: {  	s8 =	sadd.s32 $0xFFFFE003, lr  }
0x1b: {  	s9 =	sadd.s32 $0xFFFFFEF7, lr;
	s5 =	simm.s32 $0xFFFFFFFF;
	p2 =	slt.u32 s8, $0xFFFFF086  }
0x1c: {  	p1 =	slt.u32 s9, $0xF7A;
	s5 =	simm.s32 @!p2 $0x0  }
0x1d: {  	s5 =	simm.s32 @p1 $0x1;
	p0 =	seq.s32 s7, s2  }
0x1e: {  	s7 =	smul.u32 @!p0 $0xF7A, s2;
	p2 =	seq.s32 @!p0 s5, $0x0  }
0x1f: {  	s9 =	smul.u32 $0xF7A, s1;
	s8 =	simm.s32 @!p0 $0x1BF5;
	p2 =	por !p2, p0  }
0x20: {  	[sflag:s8] =	ssyncset.s32 @!p0 $0xFFFFF086;
	s6 =	sadd.s32 @!p0 s3, s7;
	s7 =	simm.s32 @!p0 $0x108  }
0x21: {  	s3 =	sadd.s32 s3, s9;
	s6 =	sadd.s32 @!p0 $0x88, s6;
	s7 =	simm.s32 @p2 $0x1082  }
0x22: {  	[simem:s7], [sflag:s8] =	dma.local @!p0 [hbm:s6], $0xF7A  }
0x23: {  	s9 =	sor.u32 $0xD0000000, s2;
	s6 =	simm.s32 $0x108;
	_ =	swait.ge @!p0 [sflag:s8], $0x0  }
0x24: {  	s3 =	sadd.s32 $0x88, s3;
	s6 =	simm.s32 @!p1 $0x1082;
	[sflag:s4] =	ssyncset.s32 $0xFFFFF086  }
0x25: {  	[simem:s6], [sflag:s4] =	dma.local [hbm:s3], $0xF7A  }
0x26: {  	[smem:$0x3F90] =	sst s1;
	(tag) =	ssettag s2;
	_ =	strace s9  }
0x27: {  	s1 =	sld [smem:$0x3FA0]  }
0x28: {  	s2 =	sld [smem:$0x3FA1]  }
0x29: {  	s4 =	sld [smem:$0x3FA3]  }
0x2a: {  	p0 =	seq.s32 s5, $0x0;
	s5 =	sld [smem:$0x3FA4]  }
0x2b: {  	s6 =	sld [smem:$0x3FA5]  }
0x2c: {  	s7 =	sld [smem:$0x3FA6]  }
0x2d: {  	s3 =	simm.s32 $0x108;
	s8 =	sld [smem:$0x3FA7]  }
0x2e: {  	s3 =	simm.s32 @!p0 $0x1082;
	s9 =	sld [smem:$0x3FA8]  }
0x2f: {  	lr =	sadd.s32 s0, s3;
	s0 =	sld [smem:$0x3F9F]  }
0x30: {  	s3 =	sld [smem:$0x3FA2]  }
0x31: {  	[smem:$0x3FAB] =	sst s10  }
0x32: {  	s10 =	sld [smem:$0x3FA9];
	_ =	sdelay $0x3  }
0x33: {  	p0 =	seq.s32 s10, $0x1;
	s10 =	sld [smem:$0x3FAB];
	_ =	sdelay $0x3  }
0x34: {  	[smem:$0x3FAB] =	sst s10  }
0x35: {  	s10 =	sld [smem:$0x3FAA];
	_ =	sdelay $0x3  }
0x36: {  	p1 =	seq.s32 s10, $0x1;
	s10 =	sld [smem:$0x3FAB];
	_ =	sdelay $0x3  }
0x37: {  	[smem:$0x3FAB] =	sst s10  }
0x38: {  	s10 =	sld [smem:$0x3FAC]  }
0x39: {  	_ = 	snop;
	(pc) =	sbr.ind lr, $3  }
0x3a: {  	_ = 	snop  }
0x3b: {  	_ = 	snop  }
0x3c: {  	p2 =	seq.s32 s10, $0x1;
	s10 =	sld [smem:$0x3FAB]  }
0x3d: {  	_ =	shalt  }
0x3e: {  	_ =	shalt  }
0x3f: {  	_ =	shalt  }
0x40: {  	_ =	shalt  }
0x41: {  	_ =	shalt  }
0x42: {  	_ =	shalt  }
0x43: {  	_ =	shalt  }
0x44: {  	_ =	shalt  }
0x45: {  	_ =	shalt  }
0x46: {  	_ =	shalt  }
0x47: {  	_ =	shalt  }
0x48: {  	_ =	shalt  }
0x49: {  	_ =	shalt  }
0x4a: {  	_ =	shalt  }
0x4b: {  	_ =	shalt  }
0x4c: {  	_ =	shalt  }
0x4d: {  	_ =	shalt  }
0x4e: {  	_ =	shalt  }
0x4f: {  	_ =	shalt  }
0x50: {  	_ =	shalt  }
0x51: {  	_ =	shalt  }
0x52: {  	_ =	shalt  }
0x53: {  	_ =	shalt  }
0x54: {  	_ =	shalt  }
0x55: {  	_ =	shalt  }
0x56: {  	_ =	shalt  }
0x57: {  	_ =	shalt  }
0x58: {  	_ =	shalt  }
0x59: {  	_ =	shalt  }
0x5a: {  	_ =	shalt  }
0x5b: {  	_ =	shalt  }
0x5c: {  	_ =	shalt  }
0x5d: {  	_ =	shalt  }
0x5e: {  	_ =	shalt  }
0x5f: {  	_ =	shalt  }
0x60: {  	_ =	shalt  }
0x61: {  	_ =	shalt  }
0x62: {  	_ =	shalt  }
0x63: {  	_ =	shalt  }
0x64: {  	_ =	shalt  }
0x65: {  	_ =	shalt  }
0x66: {  	_ =	shalt  }
0x67: {  	_ =	shalt  }
0x68: {  	_ =	shalt  }
0x69: {  	_ =	shalt  }
0x6a: {  	_ =	shalt  }
0x6b: {  	_ =	shalt  }
0x6c: {  	_ =	shalt  }
0x6d: {  	_ =	shalt  }
0x6e: {  	_ =	shalt  }
0x6f: {  	_ =	shalt  }
0x70: {  	_ =	shalt  }
0x71: {  	_ =	shalt  }
0x72: {  	_ =	shalt  }
0x73: {  	_ =	shalt  }
0x74: {  	_ =	shalt  }
0x75: {  	_ =	shalt  }
0x76: {  	_ =	shalt  }
0x77: {  	_ =	shalt  }
0x78: {  	_ =	shalt  }
0x79: {  	_ =	shalt  }
0x7a: {  	_ =	shalt  }
0x7b: {  	_ =	shalt  }
0x7c: {  	_ =	shalt  }
0x7d: {  	_ =	shalt  }
0x7e: {  	_ =	shalt  }
0x7f: {  	_ =	shalt  }
0x80: {  	_ =	shalt  }
0x81: {  	_ =	shalt  }
0x82: {  	_ =	shalt  }
0x83: {  	_ =	shalt  }
0x84: {  	_ =	shalt  }
0x85: {  	_ =	shalt  }
0x86: {  	_ =	shalt  }
0x87: {  	_ =	shalt  }
.Lfunc_end0:
.L_simem_size_0:
called_computation_lowered:
.L_overlay_start_0:
0x88: {  	s2 =	sld [smem:$0x3FD9]  }
0x89: {  	s3 =	sld [smem:$0x3FFE];
	_ =	sdelay $0x1  }
0x8a: {  	s1 =	srdreg.scid  }
0x8b: {  	s0 =	sand.u32 $0x1, s1  }
0x8c: {  	s14 =	sshll.u32 s0, $0xA;
	s2 =	sadd.s32 s3, s2  }
0x8d: {  	s2 =	sadd.s32 s2, s14  }
0x8e: {  	[smem:$0x3FB7] =	sst s2  }
0x8f: {  	_ = 	snop  }
0x90: {  	s2 =	sld [smem:$0x3FD0];
	_ =	sdelay $0x2  }
0x91: {  	s15 =	simm.s32 $0xA;
	s4 =	simm.s32 $0x10  }
0x92: {  	[smem:s4], [sflag:s15] =	dma.local [hbm:s2], $0x1  }
0x93: {  	_ =	swait.eq [sflag:s15], $0x1  }
0x94: {  	[sflag:s15] =	ssyncset.done $0x0  }
0x95: {  	[sflag:s15] =	ssyncadd.s32 $0xFFFFFFFF  }
0x96: {  	s16 =	sld [smem:$0x10];
	(tm) =	ssettm $0x1  }
0x97: {  	s17 =	sld [smem:$0x3FFB];
	_ =	sdelay $0x3  }
0x98: {  	_ =	strace s17  }
0x99: {  	s3 =	sld [smem:$0x3FFC];
	_ =	sdelay $0x3  }
0x9a: {  	_ =	strace s3  }
0x9b: {  	s3 =	sld [smem:$0x3FFD];
	_ =	sdelay $0x3  }
0x9c: {  	_ =	strace s3  }
0x9d: {  	_ =	strace $0x8FFFFFFF  }
0x9e: {  	s18 =	sld [smem:$0x3FDB];
	_ =	sdelay $0x1  }
0x9f: {  	s19 =	simm.s32 $_scs_section_size  }
0xa0: {  	s5 =	simm.s32 $_size__tile_overlayer_lowered;
	s6 =	simm.s32 $_tile_overlayer_lowered  }
0xa1: {  	s22 =	simm.s32 $0x1BFF;
	s21 =	sshll.u32 s6, $0x1;
	s3 =	sadd.s32 s19, s18  }
0xa2: {  	s7 =	simm.s32 $0x0;
	s20 =	sshll.u32 s5, $0x1;
	s5 =	sadd.s32 s21, s3  }
0xa3: {  	[timem:s7], [sflag:s22] =	dma.local [hbm:s5], s20  }
0xa4: {  	_ =	swait.ge [sflag:s22], s20  }
0xa5: {  	s4 =	ssub.s32 $0x0, s20;
	[sflag:s22] =	ssyncset.done $0x0  }
0xa6: {  	[sflag:s22] =	ssyncadd.s32 s4;
	_ =	sdelay $0x1  }
0xa7: {  	s23 =	simm.s32 $0x1B8B  }
0xa8: {  	_ =	swait.ge [sflag:s23], $0x1  }
0xa9: {  	[sflag:s23] =	ssyncset.done $0x0  }
0xaa: {  	s25 =	simm.s32 $0x1B8E;
	s24 =	sld [smem:$0x3FFE];
	[sflag:s23] =	ssyncadd.s32 $0xFFFFFFFF  }
0xab: {  	s26 =	simm.s32 $execute0_lowered;
	[smem:$0x3FD2] =	sst s25  }
0xac: {  	s5 =	sshll.u32 s26, $0x1;
	_ =	strace $0x80000046;
	[dreg:$0x1] =	wrdreg $0xFFFFFFFF  }
0xad: {  	s28 =	simm.s32 $_size_execute0_lowered;
	s3 =	sadd.s32 s3, s5;
	[dreg:$0x0] =	wrdreg $0x0  }
0xae: {  	s5 =	sshll.u32 s28, $0x1;
	[dreg:$0x2] =	wrdreg s3  }
0xaf: {  	[dreg:$0x3] =	wrdreg s5  }
0xb0: {  	[dreg:$0x4] =	wrdreg $0xC0  }
0xb1: {  	_ =	task [dreg:s7], $0x5FFFF  }
0xb2: {  	[dreg:$0x1] =	wrdreg $0xFFFFFFFF  }
0xb3: {  	[dreg:$0x0] =	wrdreg $0x60  }
0xb4: {  	[dreg:$0x2] =	wrdreg s24  }
0xb5: {  	[dreg:$0x3] =	wrdreg s16  }
0xb6: {  	[dreg:$0x4] =	wrdreg $0x9  }
0xb7: {  	_ =	task.clear_ibuf [dreg:s7], $0x5FFFF;
	_ =	strace $0x90000046  }
0xb8: {  	s29 =	simm.s32 $0x9;
	_ =	strace $0x80000048  }
0xb9: {  	_ =	swait.ge [sflag:s29], $0x1  }
0xba: {  	[sflag:s29] =	ssyncadd.s32 $0xFFFFFFFF  }
0xbb: {  	_ =	strace $0x90000048  }
0xbc: {  	_ =	sfence  }
0xbd: {  	s30 =	sld [smem:$0x0];
	_ =	sdelay $0x2  }
0xbe: {  	s31 =	sshll.u32 s1, $0xD;
	s1 =	sshrl.u32 s1, $0x2  }
0xbf: {  	s3 =	sand.u32 $0x4000, s31;
	s1 =	sadd.s32 s1, s30  }
0xc0: {  	s0 =	sor.u32 s3, s0;
	s1 =	sshll.u32 s1, $0x11  }
0xc1: {  	s0 =	sor.u32 s1, s0  }
0xc2: {  	s0 =	sadd.s32 $0x8F2B, s0  }
0xc3: {  	[sflag:s0] =	ssyncadd.remote.s32 $0x1  }
0xc4: {  	_ =	sfence.sel $0xFFFF  }
0xc5: {  	[dreg:$0x0] =	wrdreg $0xFFFFFFFF;
	(pc) =	sbr.abs _section_cstart, $3  }
0xc6: {  	[dreg:$0x1] =	wrdreg $0xFFFFFFFF  }
0xc7: {  	_ =	task.clear_ibuf [dreg:s7], $0x2FFFF;
	_ =	strace $0x9FFFFFFF  }
0xc8: {  	(tm) =	ssettm $0x7FFFFFFF  }
0xc9: {  	_ =	shalt  }
tec
execute0_lowered:
.L_overlay_start_1:
0x0: {  	(tag) =	ssettag $0x1  }
0x1: {  	s3 =	rddreg [dreg:$0x0]  }
0x2: {  	s0 =	srdreg.scid;
	s7 =	rddreg [dreg:$0x1]  }
0x3: {  	s1 =	stileid.u32;
	s2 =	simm.s32 $0x0;
	s10 =	simm.s32 $0x2000  }
0x4: {  	s12 =	simm.s32 $0x4500;
	s13 =	simm.s32 $0x0;
	s4 =	sand.u32 $0x1, s0  }
0x5: {  	s0 =	rddreg [dreg:$0x2];
	s5 =	sshll.u32 s4, $0x4;
	s4 =	ssub.s32 $0x2, s4  }
0x6: {  	[smem:$0x7FF] =	sst s2;
	s11 =	sor.u32 s1, s5;
	s31 =	sshrl.u32 s4, $0x1  }
0x7: {  	_ =	strace $0x80000047;
	s8 =	sshll.u32 s11, $0xA;
	s9 =	ssub.s32 s4, s31  }
0x8: {  	s4 =	sshll.u32 s11, $0xD;
	v0 =	vmov s11;
	s11 =	simm.s32 $0x4480;
	s6 =	sadd.s32 s8, s3  }
0x9: {  	s3 =	sadd.s32 $0x2000, s3;
	s7 =	sadd.s32 s7, s8;
	s8 =	smax.u32 s9, $0x1  }
0xa: {  	s9 =	simm.s32 $0x1;
	s5 =	sadd.s32 $0xB200, s6;
	s6 =	sadd.s32 $0x2200, s6  }
.LBB2_1:
0xb: {  	[tilespmem:s2], [sflag:$0x1] =	stream.linear.gather [hbm4b:s5+s2], $0x2000, $0x38;
	[tilespmem:$0x6500] =	vst v63  }
0xc: {  	_ =	swait.ge [sflag:s9], $0x2000  }
0xd: {  	[sflag:s9] =	ssyncset.done $0x0  }
0xe: {  	[sflag:s9] =	ssyncadd.s32 $0xFFFFE000  }
0xf: {  	[tilespmem:s10], [sflag:$0x1] =	stream.linear.gather [hbm4b:s6+s2], $0x2408, $0x38;
	[tilespmem:$0x6500] =	vst v63  }
0x10: {  	_ =	swait.ge [sflag:s9], $0x2408  }
0x11: {  	[sflag:s9] =	ssyncset.done $0x0  }
0x12: {  	[sflag:s9] =	ssyncadd.s32 $0xFFFFDBF8  }
0x13: {  	[tilespmem:s11], [sflag:$0x1] =	stream.linear.gather [hbm4b:s3+s2], $0x80, $0x38;
	[tilespmem:$0x6500] =	vst v63  }
0x14: {  	_ =	swait.ge [sflag:s9], $0x80  }
0x15: {  	[sflag:s9] =	ssyncset.done $0x0  }
0x16: {  	[sflag:s9] =	ssyncadd.s32 $0xFFFFFF80  }
0x17: {  	v1 =	vld.idx.msk [tilespmem:v0+s11+$0x0], $0xffff;
	_ =	sdelay $0x4  }
0x18: {  	v1 =	vxor.u32 $0x80000000, v1  }
0x19: {  	(xrf0) =	vmax.scan.msk.u32 $0xffff, v1;
	_ =	sdelay $0x4  }
0x1a: {  	s15 =	simm.s32 $0x0  }
0x1b: {  	v2 =	vld [tilespmem:s15+$0x0];
	v1, _, _ =	vpop (xrf0)  }
0x1c: {  	(v2sf) =	vpush v1, $0xF;
	_ =	sdelay $0x3  }
0x1d: {  	(xrf0) =	vadd.scan.msk.s32 $0xffff, v2;
	_ =	sdelay $0x5  }
0x1e: {  	v1, _, _ =	vpop (xrf0)  }
0x1f: {  	v3 =	vxor.u32 $0x80000000, v1  }
0x20: {  	(xrf0) =	vmax.scan.msk.u32 $0xffff, v3;
	_ =	sdelay $0x2  }
0x21: {  	v1 =	vsub.s32 v1, v2;
	s14 =	spop (v2sf)  }
0x22: {  	s14 =	sxor.u32 $0x80000000, s14  }
0x23: {  	s16 =	ssub.s32 s14, s4  }
0x24: {  	v3 =	vadd.s32 s16, v1;
	v1, _, _ =	vpop (xrf0)  }
0x25: {  	vm0 =	vlt.s32 v3, $0x2407;
	(v2sf) =	vpush v1, $0xF  }
0x26: {  	v1 =	vadd.s32 $0x1, v3;
	v4 =	vnsel vm0, $0x2407, v3  }
0x27: {  	vm0 =	vlt.s32 v1, $0x2407  }
0x28: {  	v6 =	vadd.s32 $0x2, v3;
	v5 =	vnsel vm0, $0x2407, v1  }
0x29: {  	s14 =	simm.s32 $0x10;
	vm0 =	vlt.s32 v6, $0x2407  }
0x2a: {  	v7 =	vadd.s32 $0x3, v3;
	v1 =	vld [tilespmem:s14+$0x0];
	v6 =	vnsel vm0, $0x2407, v6  }
0x2b: {  	vm0 =	vlt.s32 v7, $0x2407;
	v4 =	vld.idx.msk [tilespmem:v4+s10+$0x0], $0xffff  }
0x2c: {  	v8 =	vadd.s32 $0x4, v3;
	v7 =	vnsel vm0, $0x2407, v7  }
0x2d: {  	v9 =	vadd.s32 $0x6, v3;
	vm0 =	vlt.s32 v8, $0x2407;
	v5 =	vld.idx.msk [tilespmem:v5+s10+$0x0], $0xffff  }
0x2e: {  	v10 =	vadd.s32 $0x5, v3;
	vm1 =	vlt.s32 v9, $0x2407;
	v8 =	vnsel vm0, $0x2407, v8  }
0x2f: {  	vm3 =	vgt.s32 v2, $0x1;
	v9 =	vnsel vm1, $0x2407, v9;
	vm1 =	vlt.s32 v10, $0x2407;
	(xrf0) =	vadd.scan.msk.s32 $0xffff, v1;
	v6 =	vld.idx.msk [tilespmem:v6+s10+$0x0], $0xffff  }
0x30: {  	v10 =	vnsel vm1, $0x2407, v10;
	vm0 =	vgt.s32 v2, $0x7;
	v4 =	vadd.f32 $0.0e+00, v4  }
0x31: {  	v3 =	vadd.s32 $0x7, v3;
	vm1 =	vmmov vm0;
	vm0 =	vgt.s32 v2, $0x0;
	v7 =	vld.idx.msk [tilespmem:v7+s10+$0x0], $0xffff  }
0x32: {  	vm2 =	vlt.s32 v3, $0x2407;
	v5 =	vnsel vm3, $0x0, v5;
	v4 =	vnsel vm0, $0x0, v4  }
0x33: {  	v3 =	vnsel vm2, $0x2407, v3;
	vm2 =	vgt.s32 v2, $0x2;
	v8 =	vld.idx.msk [tilespmem:v8+s10+$0x0], $0xffff;
	v4 =	vadd.f32 v5, v4  }
0x34: {  	vm4 =	vgt.s32 v2, $0x5;
	v5 =	vnsel vm2, $0x0, v6;
	s17 =	spop (v2sf)  }
0x35: {  	v10 =	vld.idx.msk [tilespmem:v10+s10+$0x0], $0xffff;
	vm3 =	vgt.s32 v2, $0x3;
	v6, _, _ =	vpop (xrf0);
	vm2 =	vgt.s32 v2, $0x6;
	v4 =	vadd.f32 v5, v4;
	s16 =	sadd.s32 s17, s16  }
0x36: {  	v11 =	vsub.s32 v6, v1;
	v6 =	vxor.u32 $0x80000000, v6;
	v5 =	vnsel vm3, $0x0, v7;
	s16 =	sadd.s32 $0x80000000, s16  }
0x37: {  	vm3 =	vgt.s32 v2, $0x4;
	v2 =	vadd.s32 s16, v11;
	v5 =	vadd.f32 v5, v4  }
0x38: {  	v12 =	vld.idx.msk [tilespmem:v9+s10+$0x0], $0xffff;
	(xrf0) =	vmax.scan.msk.u32 $0xffff, v6;
	v6 =	vnsel vm3, $0x0, v8;
	vm3 =	vlt.s32 v2, $0x2407;
	v7 =	vadd.s32 $0x1, v2  }
0x39: {  	v4 =	vnsel vm3, $0x2407, v2;
	vm3 =	vlt.s32 v7, $0x2407;
	v6 =	vadd.f32 v6, v5  }
0x3a: {  	v5 =	vnsel vm3, $0x2407, v7;
	v7 =	vnsel vm4, $0x0, v10  }
0x3b: {  	v9 =	vadd.s32 $0x3, v2;
	v10 =	vadd.f32 v7, v6;
	v7 =	vld.idx.msk [tilespmem:v3+s10+$0x0], $0xffff  }
0x3c: {  	vm0 =	vgt.s32 v1, $0x7  }
0x3d: {  	v11 =	vnsel vm2, $0x0, v12;
	v8 =	vadd.s32 $0x2, v2;
	vm4 =	vlt.s32 v9, $0x2407  }
0x3e: {  	s17 =	simm.s32 $0x80;
	vm3 =	vlt.s32 v8, $0x2407;
	v3 =	vnsel vm4, $0x2407, v9;
	v6 =	vadd.s32 $0x4, v2;
	v9, _, _ =	vpop (xrf0)  }
.LBB2_2:
0x3f: {  	p0 =	sne.s32 s17, $0x7FC0;
	v12 =	vadd.s32 $0x6, v2;
	(v2sf) =	vpush v9, $0xF;
	v9 =	vadd.f32 v11, v10;
	s18 =	smov.u32 s17;
	s17 =	sadd.s32 $0x40, s17  }
0x40: {  	v8 =	vnsel vm3, $0x2407, v8;
	v7 =	vnsel vm1, $0x0, v7;
	vm2 =	vlt.s32 v12, $0x2407  }
0x41: {  	v11 =	vadd.s32 $0x7, v2;
	v10 =	vnsel vm2, $0x2407, v12;
	v7 =	vadd.f32 v7, v9  }
0x42: {  	vm1 =	vmmov vm0;
	s18 =	sshra.s32 s18, $0x2;
	vm3 =	vlt.s32 v11, $0x2407;
	vm2 =	vlt.s32 v6, $0x2407  }
0x43: {  	v2 =	vadd.s32 $0x5, v2;
	v11 =	vnsel vm3, $0x2407, v11;
	v6 =	vnsel vm2, $0x2407, v6;
	v9 =	vld [tilespmem:s18+$0x0];
	[tilespmem:s15+$0x4500] =	vst v7;
	s15 =	smov.u32 s14;
	s14 =	smov.u32 s18  }
0x44: {  	vm0 =	vlt.s32 v2, $0x2407;
	v4 =	vld.idx.msk [tilespmem:v4+s10+$0x0], $0xffff  }
0x45: {  	v2 =	vnsel vm0, $0x2407, v2;
	v5 =	vld.idx.msk [tilespmem:v5+s10+$0x0], $0xffff;
	_ =	sdelay $0x1  }
0x46: {  	v7 =	vld.idx.msk [tilespmem:v8+s10+$0x0], $0xffff  }
0x47: {  	vm0 =	vgt.s32 v9, $0x7;
	(xrf0) =	vadd.scan.msk.s32 $0xffff, v9  }
0x48: {  	v3 =	vld.idx.msk [tilespmem:v3+s10+$0x0], $0xffff  }
0x49: {  	vm3 =	vgt.s32 v1, $0x1;
	vm2 =	vgt.s32 v1, $0x0;
	v4 =	vadd.f32 $0.0e+00, v4  }
0x4a: {  	v5 =	vnsel vm3, $0x0, v5;
	v6 =	vld.idx.msk [tilespmem:v6+s10+$0x0], $0xffff  }
0x4b: {  	v4 =	vnsel vm2, $0x0, v4;
	vm2 =	vgt.s32 v1, $0x2  }
0x4c: {  	v4 =	vadd.f32 v5, v4;
	v5 =	vnsel vm2, $0x0, v7;
	v12 =	vld.idx.msk [tilespmem:v2+s10+$0x0], $0xffff  }
0x4d: {  	vm3 =	vgt.s32 v1, $0x3;
	vm2 =	vgt.s32 v1, $0x6;
	v2, _, _ =	vpop (xrf0);
	s18 =	spop (v2sf)  }
0x4e: {  	v4 =	vadd.f32 v5, v4;
	v7 =	vsub.s32 v2, v9;
	v2 =	vxor.u32 $0x80000000, v2;
	v13 =	vld.idx.msk [tilespmem:v10+s10+$0x0], $0xffff;
	s16 =	sadd.s32 s18, s16  }
0x4f: {  	vm4 =	vgt.s32 v1, $0x5;
	v3 =	vnsel vm3, $0x0, v3;
	vm3 =	vgt.s32 v1, $0x4;
	v1 =	vmovc v9;
	(xrf0) =	vmax.scan.msk.u32 $0xffff, v2;
	s16 =	sadd.s32 $0x80000000, s16  }
0x50: {  	v3 =	vadd.f32 v3, v4;
	v5 =	vnsel vm3, $0x0, v6;
	v2 =	vadd.s32 s16, v7  }
.Ltmp0:
0x51: {  	vm3 =	vlt.s32 v2, $0x2407;
	v6 =	vadd.s32 $0x1, v2;
	v9 =	vadd.s32 $0x3, v2;
	v7 =	vld.idx.msk [tilespmem:v11+s10+$0x0], $0xffff;
	(pc) =	sbr.rel @p0 .LBB2_2-.Ltmp0, $4  }
0x52: {  	v3 =	vadd.f32 v5, v3;
	v4 =	vnsel vm3, $0x2407, v2;
	vm3 =	vlt.s32 v6, $0x2407  }
0x53: {  	v8 =	vadd.s32 $0x2, v2;
	v5 =	vnsel vm3, $0x2407, v6;
	v6 =	vnsel vm4, $0x0, v12  }
0x54: {  	vm3 =	vlt.s32 v8, $0x2407;
	vm4 =	vlt.s32 v9, $0x2407;
	v10 =	vadd.f32 v6, v3  }
0x55: {  	v11 =	vnsel vm2, $0x0, v13;
	v3 =	vnsel vm4, $0x2407, v9;
	v6 =	vadd.s32 $0x4, v2;
	v9, _, _ =	vpop (xrf0)  }
0x56: {  	v10 =	vadd.f32 v11, v10  }
0x57: {  	v7 =	vnsel vm1, $0x0, v7  }
0x58: {  	v7 =	vadd.f32 v7, v10;
	_ =	sdelay $0x1  }
0x59: {  	v8 =	vnsel vm3, $0x2407, v8;
	[tilespmem:s15+$0x4500] =	vst v7  }
0x5a: {  	v4 =	vld.idx.msk [tilespmem:v4+s10+$0x0], $0xffff;
	_ =	sdelay $0x1  }
0x5b: {  	vm6 =	vlt.s32 v6, $0x2407;
	v5 =	vld.idx.msk [tilespmem:v5+s10+$0x0], $0xffff  }
0x5c: {  	v57 =	vadd.s32 $0x5, v2;
	v6 =	vnsel vm6, $0x2407, v6  }
0x5d: {  	v58 =	vadd.s32 $0x6, v2;
	(v2sf) =	vpush v9, $0xF;
	vm7 =	vlt.s32 v57, $0x2407;
	v8 =	vld.idx.msk [tilespmem:v8+s10+$0x0], $0xffff  }
0x5e: {  	vm8 =	vgt.s32 v1, $0x0;
	v7 =	vnsel vm7, $0x2407, v57;
	v4 =	vadd.f32 $0.0e+00, v4  }
0x5f: {  	vm9 =	vgt.s32 v1, $0x1;
	v2 =	vadd.s32 $0x7, v2;
	vm2 =	vlt.s32 v58, $0x2407;
	v3 =	vld.idx.msk [tilespmem:v3+s10+$0x0], $0xffff  }
0x60: {  	v59 =	vnsel vm2, $0x2407, v58;
	v5 =	vnsel vm9, $0x0, v5;
	v4 =	vnsel vm8, $0x0, v4  }
0x61: {  	vm11 =	vgt.s32 v1, $0x2;
	vm10 =	vlt.s32 v2, $0x2407;
	v6 =	vld.idx.msk [tilespmem:v6+s10+$0x0], $0xffff;
	v4 =	vadd.f32 v5, v4  }
0x62: {  	v2 =	vnsel vm10, $0x2407, v2;
	v60 =	vnsel vm11, $0x0, v8  }
0x63: {  	vm12 =	vgt.s32 v1, $0x3;
	v7 =	vld.idx.msk [tilespmem:v7+s10+$0x0], $0xffff;
	v4 =	vadd.f32 v60, v4  }
0x64: {  	v3 =	vnsel vm12, $0x0, v3  }
0x65: {  	vm13 =	vgt.s32 v1, $0x4;
	v61 =	vld.idx.msk [tilespmem:v59+s10+$0x0], $0xffff;
	v3 =	vadd.f32 v3, v4  }
0x66: {  	v62 =	vnsel vm13, $0x0, v6  }
0x67: {  	vm14 =	vgt.s32 v1, $0x5;
	v2 =	vld.idx.msk [tilespmem:v2+s10+$0x0], $0xffff;
	v3 =	vadd.f32 v62, v3  }
0x68: {  	v63 =	vnsel vm14, $0x0, v7  }
0x69: {  	vm15 =	vgt.s32 v1, $0x6;
	v1 =	vadd.f32 v63, v3  }
0x6a: {  	v3 =	vnsel vm15, $0x0, v61  }
0x6b: {  	vm0 =	vmmov vm0;
	v1 =	vadd.f32 v3, v1  }
0x6c: {  	v2 =	vnsel vm0, $0x0, v2  }
0x6d: {  	s13 =	sadd.s32 $0x1, s13;
	v1 =	vadd.f32 v2, v1  }
0x6e: {  	p0 =	sne.s32 s13, s8  }
.Ltmp1:
0x6f: {  	s31 =	spop (v2sf);
	[tilespmem:s14+$0x4500] =	vst v1;
	(pc) =	sbr.rel @p0 .LBB2_1-.Ltmp1, $4  }
0x70: {  	[hbm4b:s7+s2] =	stream.linear.scatter [tilespmem:s12], [sflag:$0x1], $0x2000, $0x38;
	[tilespmem:$0x6500] =	vst v63  }
0x71: {  	_ =	swait.ge [sflag:s9], $0x2000  }
0x72: {  	[sflag:s9] =	ssyncset.done $0x0  }
0x73: {  	[sflag:s9] =	ssyncadd.s32 $0xFFFFE000  }
0x74: {  	_ =	sfence.sel $0x180000  }
0x75: {  	[bflag:$0x0] =	sbarrier.arrive $0xFFFF  }
0x76: {  	p0 =	sne.s32 s1, $0x0;
	_ =	strace $0x90000047  }
0x77: {  	s0 =	sadd.s32 @!p0 $0x100000, s0;
	[bflag:$0x2] =	sbarrier.arrive $0xFFFF  }
0x78: {  	[sflag:s0] =	ssyncadd.tile.s32 @!p0 $0x1;
	_ =	shalt  }
.Lfunc_end2:
_tile_overlayer_lowered:
.L_overlay_start_2:
0x79: {  	(tag) =	ssettag $0x2  }
0x7a: {  	s0 =	rddreg [dreg:$0x0];
	s2 =	stileid.u32  }
0x7b: {  	s1 =	rddreg [dreg:$0x1];
	p0 =	sne.s32 s2, $0x0  }
0x7c: {  	s3 =	rddreg [dreg:$0x2];
	[bflag:$0x3] =	sbarrier.arrive $0xFFFF;
	s2 =	simm.s32 @!p0 $0x1C01  }
0x7d: {  	[timem:s3], [sflag:s2] =	dma.local @!p0 [hbm:s0], s1  }
0x7e: {  	s0 =	simm.s32 @!p0 $0x1  }
0x7f: {  	_ =	swait.ge @!p0 [sflag:s0], s1  }
0x80: {  	s1 =	ssub.s32 @!p0 $0x0, s1;
	[sflag:s0] =	ssyncset.done @!p0 $0x0  }
0x81: {  	[sflag:s0] =	ssyncadd.s32 @!p0 s1  }
0x82: {  	[bflag:$0x3] =	sbarrier.arrive $0xFFFF  }
0x83: {  	_ =	shalt  }

</sc_bundles>
